<compile_context>
chip_gen: v7x
topology: tpu7x:2x2x1
jax: 0.10.2.dev20260603
libtpu: 0.0.44.dev20260713+nightly
codegen_flags: <defaults>
</compile_context>

<pallas_src>
import math

import jax
import jax.numpy as jnp
from jax import lax
from jax.experimental import pallas as pl
from jax.experimental.pallas import tpu as pltpu
from jax.experimental.pallas import tpu_sc as plsc

B, S, D = 2, 2048, 1024
E, FF = 8, 2048
T = B * S
BLK = 512
NBLK = T // BLK
TB = 256
NBMAX = T // TB + E
TPAD = NBMAX * TB
NMETA = 32
PGW = 128

SC_NC, SC_NS, SC_L = 2, 16, 16
NW = SC_NC * SC_NS
TPW = TPAD // NW
TPT = T // NW



def _router_body(x_ref, gw_ref, gate_ref, r_ref, pg16_ref, counts_ref,
                 poff_ref, blk_e_ref, blk_b_ref, blk_v_ref, blk_ei_ref,
                 blk_fb_ref, blk_des_ref, blk_dv_ref, loss_ref,
                 runc, psum, tril_v):
    i = pl.program_id(0)

    @pl.when(i == 0)
    def _init():
        runc[...] = jnp.zeros((1, E), jnp.float32)
        psum[...] = jnp.zeros((1, E), jnp.float32)
        ri = lax.broadcasted_iota(jnp.int32, (BLK, BLK), 0)
        ci = lax.broadcasted_iota(jnp.int32, (BLK, BLK), 1)
        tril_v[...] = (ci < ri).astype(jnp.float32)

    xb = x_ref[...]
    gw = gw_ref[...]
    logits = lax.dot_general(xb, gw, (((1,), (1,)), ((), ())),
                             preferred_element_type=jnp.float32)
    m = jnp.max(logits, axis=1, keepdims=True)
    ex = jnp.exp(logits - m)
    ssum = jnp.sum(ex, axis=1, keepdims=True)
    prob = ex / ssum
    pg = 1.0 / ssum
    eids = lax.broadcasted_iota(jnp.int32, (1, E), 1)
    ismax = logits >= m
    gate = jnp.min(jnp.where(ismax, eids, E), axis=1)
    onehot = (gate[:, None] == eids).astype(jnp.float32)

    cum_excl = jnp.dot(tril_v[...], onehot,
                       preferred_element_type=jnp.float32)
    rank = jnp.sum((runc[...] + cum_excl) * onehot, axis=1)

    gate_ref[0, 0, :] = gate.astype(jnp.int32)
    r_ref[0, 0, :] = rank.astype(jnp.int32)
    pg16_ref[...] = jnp.broadcast_to(pg, (BLK, PGW))

    runc[...] += jnp.sum(onehot, axis=0, keepdims=True)
    psum[...] += jnp.sum(prob, axis=0, keepdims=True)

    @pl.when(i == NBLK - 1)
    def _fin():
        counts_f = runc[...]
        counts_i = counts_f.astype(jnp.int32)
        counts_ref[...] = counts_i
        nb = (counts_i + (TB - 1)) // TB
        r8 = lax.broadcasted_iota(jnp.int32, (E, E), 0)
        c8 = lax.broadcasted_iota(jnp.int32, (E, E), 1)
        sup = (r8 < c8).astype(jnp.float32)
        excl_f = jnp.dot(nb.astype(jnp.float32), sup,
                         preferred_element_type=jnp.float32)
        excl = excl_f.astype(jnp.int32)
        incl = excl + nb
        poff_rows = excl * TB
        poff_ref[...] = jnp.concatenate(
            [poff_rows, jnp.zeros((1, 16 - E), jnp.int32)], axis=1)
        nb_tot = jnp.sum(nb)
        bi = lax.broadcasted_iota(jnp.int32, (NMETA, 1), 0)
        inrange = (bi >= excl) & (bi < incl)
        blk_e = jnp.sum(jnp.where(inrange, eids, 0), axis=1)
        valid = (bi[:, 0] < nb_tot).astype(jnp.int32)
        e_last = jnp.max(blk_e * valid)
        blk_e_ref[...] = jnp.where(valid == 1, blk_e, e_last)[None, :]
        blk_b_ref[...] = jnp.minimum(bi[:, 0], nb_tot - 1)[None, :]
        blk_v_ref[...] = valid[None, :]
        has = nb > 0
        hasf = has.astype(jnp.float32)
        drank = jnp.dot(hasf, sup,
                        preferred_element_type=jnp.float32).astype(jnp.int32)
        nd = jnp.sum(has.astype(jnp.int32))
        match = (bi == drank) & has
        des = jnp.sum(jnp.where(match, eids, 0), axis=1)
        des = jnp.where(bi[:, 0] < nd, des, e_last)
        blk_des_ref[...] = des[None, :]
        blk_dv_ref[...] = (bi[:, 0] < nd).astype(jnp.int32)[None, :]
        drank_b = jnp.broadcast_to(drank, (NMETA, E))
        blk_ei_ref[...] = jnp.sum(jnp.where(inrange, drank_b, 0),
                                  axis=1)[None, :]
        firstm = (bi == excl) & has
        blk_fb_ref[...] = jnp.max(firstm.astype(jnp.int32), axis=1)[None, :]
        f = counts_f / jnp.float32(T)
        p_mean = psum[...] / jnp.float32(T)
        loss_ref[...] = jnp.float32(E) * jnp.sum(p_mean * f)[None, None]


def _router(xf, gate_w):
    outs = pl.pallas_call(
        _router_body,
        grid=(NBLK,),
        in_specs=[
            pl.BlockSpec((BLK, D), lambda i: (i, 0)),
            pl.BlockSpec((E, D), lambda i: (0, 0)),
        ],
        out_specs=[
            pl.BlockSpec((1, 1, BLK), lambda i: (i, 0, 0)),
            pl.BlockSpec((1, 1, BLK), lambda i: (i, 0, 0)),
            pl.BlockSpec((BLK, PGW), lambda i: (i, 0)),
            pl.BlockSpec((1, E), lambda i: (0, 0)),
            pl.BlockSpec((1, 16), lambda i: (0, 0)),
            pl.BlockSpec((1, NMETA), lambda i: (0, 0)),
            pl.BlockSpec((1, NMETA), lambda i: (0, 0)),
            pl.BlockSpec((1, NMETA), lambda i: (0, 0)),
            pl.BlockSpec((1, NMETA), lambda i: (0, 0)),
            pl.BlockSpec((1, NMETA), lambda i: (0, 0)),
            pl.BlockSpec((1, NMETA), lambda i: (0, 0)),
            pl.BlockSpec((1, NMETA), lambda i: (0, 0)),
            pl.BlockSpec((1, 1), lambda i: (0, 0)),
        ],
        out_shape=[
            jax.ShapeDtypeStruct((NBLK, 1, BLK), jnp.int32),
            jax.ShapeDtypeStruct((NBLK, 1, BLK), jnp.int32),
            jax.ShapeDtypeStruct((T, PGW), jnp.float32),
            jax.ShapeDtypeStruct((1, E), jnp.int32),
            jax.ShapeDtypeStruct((1, 16), jnp.int32),
            jax.ShapeDtypeStruct((1, NMETA), jnp.int32),
            jax.ShapeDtypeStruct((1, NMETA), jnp.int32),
            jax.ShapeDtypeStruct((1, NMETA), jnp.int32),
            jax.ShapeDtypeStruct((1, NMETA), jnp.int32),
            jax.ShapeDtypeStruct((1, NMETA), jnp.int32),
            jax.ShapeDtypeStruct((1, NMETA), jnp.int32),
            jax.ShapeDtypeStruct((1, NMETA), jnp.int32),
            jax.ShapeDtypeStruct((1, 1), jnp.float32),
        ],
        scratch_shapes=[
            pltpu.VMEM((1, E), jnp.float32),
            pltpu.VMEM((1, E), jnp.float32),
            pltpu.VMEM((BLK, BLK), jnp.float32),
        ],
    )(xf, gate_w)
    return outs



def _dispatch_body(x_hbm, gate_hbm, r_hbm, poff_hbm, pg16_hbm,
                   xs_hbm, pgs_hbm,
                   g_v, r_v, poff_v, xbuf, pgbuf, rx, rp, wx, wp):
    c = lax.axis_index("c")
    s = lax.axis_index("s")
    wid = s * SC_NC + c
    base0 = wid * TPT
    nch = TPT // SC_L

    pltpu.sync_copy(gate_hbm.at[pl.ds(base0, TPT)], g_v)
    pltpu.sync_copy(r_hbm.at[pl.ds(base0, TPT)], r_v)
    pltpu.sync_copy(poff_hbm, poff_v)

    def rd(j, slot):
        sl = pl.ds(base0 + j * SC_L, SC_L)
        pltpu.make_async_copy(x_hbm.at[sl], xbuf.at[slot], rx.at[slot]).start()
        pltpu.make_async_copy(pg16_hbm.at[sl], pgbuf.at[slot],
                              rp.at[slot]).start()

    rd(0, 0)

    def mv(j, carry):
        slot = lax.rem(j, 2)

        @pl.when(j < nch - 1)
        def _():
            rd(j + 1, 1 - slot)

        sl = pl.ds(base0 + j * SC_L, SC_L)
        pltpu.make_async_copy(x_hbm.at[sl], xbuf.at[slot], rx.at[slot]).wait()
        pltpu.make_async_copy(pg16_hbm.at[sl], pgbuf.at[slot],
                              rp.at[slot]).wait()
        csl = pl.ds(j * SC_L, SC_L)
        dest = plsc.load_gather(poff_v, [g_v[csl]]) + r_v[csl]
        cx = pltpu.make_async_copy(xbuf.at[slot], xs_hbm.at[dest],
                                   wx.at[slot])
        cp = pltpu.make_async_copy(pgbuf.at[slot], pgs_hbm.at[dest],
                                   wp.at[slot])
        cx.start()
        cp.start()
        cx.wait()
        cp.wait()
        return carry

    lax.fori_loop(0, nch, mv, 0)


def _dispatch(xf, gate_flat, r_flat, poff16, pg16):
    mesh = plsc.VectorSubcoreMesh(core_axis_name="c", subcore_axis_name="s")
    fn = pl.kernel(
        _dispatch_body,
        out_type=[
            jax.ShapeDtypeStruct((TPAD, D), jnp.float32),
            jax.ShapeDtypeStruct((TPAD, PGW), jnp.float32),
        ],
        mesh=mesh,
        scratch_types=[
            pltpu.VMEM((TPT,), jnp.int32),
            pltpu.VMEM((TPT,), jnp.int32),
            pltpu.VMEM((16,), jnp.int32),
            pltpu.VMEM((2, SC_L, D), jnp.float32),
            pltpu.VMEM((2, SC_L, PGW), jnp.float32),
            pltpu.SemaphoreType.DMA((2,)),
            pltpu.SemaphoreType.DMA((2,)),
            pltpu.SemaphoreType.DMA((2,)),
            pltpu.SemaphoreType.DMA((2,)),
        ],
        compiler_params=pltpu.CompilerParams(needs_layout_passes=False),
    )
    return fn(xf, gate_flat, r_flat, poff16, pg16)



def _ffn_body(be_ref, bb_ref, bv_ref, ei_ref, fb_ref, des_ref, dv_ref,
              xs_ref, w1_hbm, b1_ref, w2_hbm, b2_ref, pgs_ref, ys_ref,
              w1b, w2b, s1, s2):
    i = pl.program_id(0)
    j = ei_ref[i]
    slot = lax.rem(j, 2)

    @pl.when(i == 0)
    def _first():
        e0 = des_ref[0]
        pltpu.make_async_copy(w1_hbm.at[e0], w1b.at[0], s1.at[0]).start()
        pltpu.make_async_copy(w2_hbm.at[e0], w2b.at[0], s2.at[0]).start()

    @pl.when(fb_ref[i] == 1)
    def _arrive():
        e = des_ref[j]
        pltpu.make_async_copy(w1_hbm.at[e], w1b.at[slot], s1.at[slot]).wait()
        pltpu.make_async_copy(w2_hbm.at[e], w2b.at[slot], s2.at[slot]).wait()

        @pl.when(dv_ref[j + 1] == 1)
        def _prefetch():
            en = des_ref[j + 1]
            ns = 1 - slot
            pltpu.make_async_copy(w1_hbm.at[en], w1b.at[ns], s1.at[ns]).start()
            pltpu.make_async_copy(w2_hbm.at[en], w2b.at[ns], s2.at[ns]).start()

    @pl.when(bv_ref[i] != 0)
    def _compute():
        xb = xs_ref[...].astype(jnp.bfloat16)
        h = jnp.dot(xb, w1b[slot].astype(jnp.bfloat16),
                    preferred_element_type=jnp.float32)
        h = h + b1_ref[0]
        h = 0.5 * h * (1.0 + lax.erf(h * (1.0 / math.sqrt(2.0))))
        y = jnp.dot(h.astype(jnp.bfloat16), w2b[slot].astype(jnp.bfloat16),
                    preferred_element_type=jnp.float32)
        y = y + b2_ref[0]
        ys_ref[...] = y * pgs_ref[:, 0:1]


def _ffn(blk_e, blk_b, blk_v, blk_ei, blk_fb, blk_des, blk_dv,
         xs, w1, b1, w2, b2, pgs):
    grid_spec = pltpu.PrefetchScalarGridSpec(
        num_scalar_prefetch=7,
        grid=(NBMAX,),
        in_specs=[
            pl.BlockSpec((TB, D), lambda i, *s: (s[1][i], 0)),
            pl.BlockSpec(memory_space=pl.ANY),
            pl.BlockSpec((1, 1, FF), lambda i, *s: (s[0][i], 0, 0)),
            pl.BlockSpec(memory_space=pl.ANY),
            pl.BlockSpec((1, 1, D), lambda i, *s: (s[0][i], 0, 0)),
            pl.BlockSpec((TB, PGW), lambda i, *s: (s[1][i], 0)),
        ],
        out_specs=pl.BlockSpec((TB, D), lambda i, *s: (s[1][i], 0)),
        scratch_shapes=[
            pltpu.VMEM((2, D, FF), jnp.float32),
            pltpu.VMEM((2, FF, D), jnp.float32),
            pltpu.SemaphoreType.DMA((2,)),
            pltpu.SemaphoreType.DMA((2,)),
        ],
    )
    return pl.pallas_call(
        _ffn_body,
        grid_spec=grid_spec,
        out_shape=jax.ShapeDtypeStruct((TPAD, D), jnp.float32),
        compiler_params=pltpu.CompilerParams(
            vmem_limit_bytes=100 * 1024 * 1024),
    )(blk_e, blk_b, blk_v, blk_ei, blk_fb, blk_des, blk_dv,
      xs, w1, b1, w2, b2, pgs)



def _undispatch_body(gate_hbm, r_hbm, poff_hbm, ys_hbm, out_hbm,
                     g_v, r_v, poff_v, ybuf, gs, ws):
    c = lax.axis_index("c")
    s = lax.axis_index("s")
    wid = s * SC_NC + c
    base0 = wid * TPT
    nch = TPT // SC_L

    pltpu.sync_copy(gate_hbm.at[pl.ds(base0, TPT)], g_v)
    pltpu.sync_copy(r_hbm.at[pl.ds(base0, TPT)], r_v)
    pltpu.sync_copy(poff_hbm, poff_v)

    def mkdest(j):
        csl = pl.ds(j * SC_L, SC_L)
        return plsc.load_gather(poff_v, [g_v[csl]]) + r_v[csl]

    def gath(j, slot):
        pltpu.make_async_copy(ys_hbm.at[mkdest(j)], ybuf.at[slot],
                              gs.at[slot]).start()

    gath(0, 0)

    def mv(j, carry):
        slot = lax.rem(j, 2)

        @pl.when(j < nch - 1)
        def _():
            gath(j + 1, 1 - slot)

        pltpu.make_async_copy(ys_hbm.at[mkdest(j)], ybuf.at[slot],
                              gs.at[slot]).wait()
        cw = pltpu.make_async_copy(ybuf.at[slot],
                                   out_hbm.at[pl.ds(base0 + j * SC_L, SC_L)],
                                   ws.at[slot])
        cw.start()
        cw.wait()
        return carry

    lax.fori_loop(0, nch, mv, 0)


def _undispatch(gate_flat, r_flat, poff16, ys):
    mesh = plsc.VectorSubcoreMesh(core_axis_name="c", subcore_axis_name="s")
    fn = pl.kernel(
        _undispatch_body,
        out_type=jax.ShapeDtypeStruct((T, D), jnp.float32),
        mesh=mesh,
        scratch_types=[
            pltpu.VMEM((TPT,), jnp.int32),
            pltpu.VMEM((TPT,), jnp.int32),
            pltpu.VMEM((16,), jnp.int32),
            pltpu.VMEM((2, SC_L, D), jnp.float32),
            pltpu.SemaphoreType.DMA((2,)),
            pltpu.SemaphoreType.DMA((2,)),
        ],
        compiler_params=pltpu.CompilerParams(needs_layout_passes=False),
    )
    return fn(gate_flat, r_flat, poff16, ys)



def kernel(x, input_ids, attention_mask, gate_W, W1, b1, W2, b2):
    del input_ids, attention_mask
    xf = x.reshape(T, D)
    (gate3, r3, pg16, counts, poff16, blk_e, blk_b, blk_v,
     blk_ei, blk_fb, blk_des, blk_dv, loss) = _router(xf, gate_W)
    gate_flat = gate3.reshape(T)
    r_flat = r3.reshape(T)
    poff_flat = poff16.reshape(16)
    xs, pgs = _dispatch(xf, gate_flat, r_flat, poff_flat, pg16)
    ys = _ffn(blk_e.reshape(NMETA), blk_b.reshape(NMETA),
              blk_v.reshape(NMETA), blk_ei.reshape(NMETA),
              blk_fb.reshape(NMETA), blk_des.reshape(NMETA),
              blk_dv.reshape(NMETA), xs, W1, b1.reshape(E, 1, FF),
              W2, b2.reshape(E, 1, D), pgs)
    out = _undispatch(gate_flat, r_flat, poff_flat, ys)
    return out.reshape(B, S, D), loss.reshape(()), counts.reshape(E)

# --- scband reference (transcript-rebuilt; emitter-appended) ---
"""Pipeline reference for scband-mo-elayer-4767413699146 (READ-ONLY COPY).

The authoritative reference and input builder live on the scoring server;
editing this copy changes nothing except your own understanding.
"""

import jax, jax.numpy as jnp
import numpy as np

B, S, D = 2, 2048, 1024
E, FF = 8, 2048
VOCAB = 32000


def setup_inputs(seed: int = 0) -> dict:
    key = jax.random.key(seed)
    ks = jax.random.split(key, 8)
    x = jax.random.normal(ks[0], (B, S, D), dtype=jnp.float32)
    input_ids = jax.random.randint(ks[1], (B, S), 0, VOCAB, dtype=jnp.int64 if jax.config.jax_enable_x64 else jnp.int32)
    attention_mask = jnp.ones((B, S), dtype=jnp.float32)
    gate_W = jax.random.normal(ks[2], (E, D), dtype=jnp.float32) * 0.02
    W1 = jax.random.normal(ks[3], (E, D, FF), dtype=jnp.float32) * 0.02
    b1 = jnp.zeros((E, FF), dtype=jnp.float32)
    W2 = jax.random.normal(ks[4], (E, FF, D), dtype=jnp.float32) * 0.02
    b2 = jnp.zeros((E, D), dtype=jnp.float32)
    return {"x": x, "input_ids": input_ids, "attention_mask": attention_mask,
            "gate_W": gate_W, "W1": W1, "b1": b1, "W2": W2, "b2": b2}


def reference(x, input_ids, attention_mask, gate_W, W1, b1, W2, b2):
    # route_method == 'gate-token'
    bsz, seq_len, dim = x.shape
    xf = x.reshape(-1, dim)                      # [T, D]
    logits_gate = xf @ gate_W.T                  # [T, E]
    prob_gate = jax.nn.softmax(logits_gate, axis=-1)
    gate = jnp.argmax(prob_gate, axis=-1)        # [T]
    num_tokens = jnp.bincount(gate, length=E)    # gate_load
    gate_load = num_tokens
    P = prob_gate.mean(axis=0)
    temp = num_tokens.astype(jnp.float32)
    f = temp / temp.sum()
    balance_loss = E * jnp.sum(P * f)
    pg = jnp.take_along_axis(prob_gate, gate[:, None], axis=1)  # [T, 1]
    out = jnp.zeros_like(xf)
    for e in range(E):
        h = jax.nn.gelu(xf @ W1[e] + b1[e], approximate=False) @ W2[e] + b2[e]
        out = out + jnp.where((gate == e)[:, None], h * pg, 0.0)
    out = out.reshape(bsz, seq_len, dim)
    return out, balance_loss, gate_load

if __name__ == "__main__":
    import jax
    _d = setup_inputs()
    print(jax.jit(kernel)(*tuple(_d.values())))

</pallas_src>

<mosaic_0001>
#map = affine_map<(d0, d1) -> (0)>
#map1 = affine_map<(d0, d1) -> (0, 0)>
module attributes {stable_mosaic.version = 14 : i64} {
  func.func @_undispatch_body(%arg0: i32, %arg1: i32, %arg2: memref<4096xi32, #tpu.memory_space<hbm>>, %arg3: memref<4096xi32, #tpu.memory_space<hbm>>, %arg4: memref<16xi32, #tpu.memory_space<hbm>>, %arg5: memref<6144x1024xf32, #tpu.memory_space<hbm>>, %arg6: memref<4096x1024xf32, #tpu.memory_space<hbm>>, %arg7: memref<128xi32, #tpu.memory_space<vmem>>, %arg8: memref<128xi32, #tpu.memory_space<vmem>>, %arg9: memref<16xi32, #tpu.memory_space<vmem>>, %arg10: memref<2x16x1024xf32, #tpu.memory_space<vmem>>, %arg11: memref<2x!tpu.dma_semaphore, #tpu.memory_space<semaphore_mem>>, %arg12: memref<2x!tpu.dma_semaphore, #tpu.memory_space<semaphore_mem>>) attributes {dimension_semantics = [#tpu.dimension_semantics<core_parallel>, #tpu.dimension_semantics<subcore_parallel>], iteration_bounds = array<i64: 2, 16>, scalar_prefetch = 0 : i64, scratch_operands = 6 : i64, tpu.core_type = #tpu.core_type<sc_vector_subcore>, window_params = [{transform_indices = #map}, {transform_indices = #map}, {transform_indices = #map}, {transform_indices = #map1}, {transform_indices = #map1}]} {
    %mul3A = arith.constant 2 : i32
    %mul3A_0 = arith.muli %arg1, %mul3A : i32
    %add3A = arith.addi %mul3A_0, %arg0 : i32
    %mul3A_1 = arith.constant 128 : i32
    %mul3A_2 = arith.muli %add3A, %mul3A_1 : i32
    "tpu.region"() ({
      %run_scoped3A = tpu.sem_alloc : memref<!tpu.dma_semaphore, #tpu.memory_space<semaphore_mem>>
      %dma_start3A_22 = tpu.memref_slice %arg2[%mul3A_2] : memref<4096xi32, #tpu.memory_space<hbm>> -> memref<128xi32, #tpu.memory_space<hbm>>
      %dma_start3A_23 = tpu.memref_slice %arg2[%mul3A_2] : memref<4096xi32, #tpu.memory_space<hbm>> -> memref<128xi32, #tpu.memory_space<hbm>>
      tpu.enqueue_dma source(%dma_start3A_23 : memref<128xi32, #tpu.memory_space<hbm>>) target(%arg7 : memref<128xi32, #tpu.memory_space<vmem>>) target_semaphore(%run_scoped3A : memref<!tpu.dma_semaphore, #tpu.memory_space<semaphore_mem>>)
      %dma_wait3A = tpu.memref_slice %arg2[%mul3A_2] : memref<4096xi32, #tpu.memory_space<hbm>> -> memref<128xi32, #tpu.memory_space<hbm>>
      %dma_wait3A_24 = tpu.memref_slice %arg2[%mul3A_2] : memref<4096xi32, #tpu.memory_space<hbm>> -> memref<128xi32, #tpu.memory_space<hbm>>
      tpu.wait_dma2 semaphore(%run_scoped3A : memref<!tpu.dma_semaphore, #tpu.memory_space<semaphore_mem>>) src(%dma_wait3A_24 : memref<128xi32, #tpu.memory_space<hbm>>) dst(%arg7 : memref<128xi32, #tpu.memory_space<vmem>>)
      tpu.yield
    }) : () -> ()
    "tpu.region"() ({
      %run_scoped3A = tpu.sem_alloc : memref<!tpu.dma_semaphore, #tpu.memory_space<semaphore_mem>>
      %dma_start3A_22 = tpu.memref_slice %arg3[%mul3A_2] : memref<4096xi32, #tpu.memory_space<hbm>> -> memref<128xi32, #tpu.memory_space<hbm>>
      %dma_start3A_23 = tpu.memref_slice %arg3[%mul3A_2] : memref<4096xi32, #tpu.memory_space<hbm>> -> memref<128xi32, #tpu.memory_space<hbm>>
      tpu.enqueue_dma source(%dma_start3A_23 : memref<128xi32, #tpu.memory_space<hbm>>) target(%arg8 : memref<128xi32, #tpu.memory_space<vmem>>) target_semaphore(%run_scoped3A : memref<!tpu.dma_semaphore, #tpu.memory_space<semaphore_mem>>)
      %dma_wait3A = tpu.memref_slice %arg3[%mul3A_2] : memref<4096xi32, #tpu.memory_space<hbm>> -> memref<128xi32, #tpu.memory_space<hbm>>
      %dma_wait3A_24 = tpu.memref_slice %arg3[%mul3A_2] : memref<4096xi32, #tpu.memory_space<hbm>> -> memref<128xi32, #tpu.memory_space<hbm>>
      tpu.wait_dma2 semaphore(%run_scoped3A : memref<!tpu.dma_semaphore, #tpu.memory_space<semaphore_mem>>) src(%dma_wait3A_24 : memref<128xi32, #tpu.memory_space<hbm>>) dst(%arg8 : memref<128xi32, #tpu.memory_space<vmem>>)
      tpu.yield
    }) : () -> ()
    "tpu.region"() ({
      %run_scoped3A = tpu.sem_alloc : memref<!tpu.dma_semaphore, #tpu.memory_space<semaphore_mem>>
      tpu.enqueue_dma source(%arg4 : memref<16xi32, #tpu.memory_space<hbm>>) target(%arg9 : memref<16xi32, #tpu.memory_space<vmem>>) target_semaphore(%run_scoped3A : memref<!tpu.dma_semaphore, #tpu.memory_space<semaphore_mem>>)
      tpu.wait_dma2 semaphore(%run_scoped3A : memref<!tpu.dma_semaphore, #tpu.memory_space<semaphore_mem>>) src(%arg4 : memref<16xi32, #tpu.memory_space<hbm>>) dst(%arg9 : memref<16xi32, #tpu.memory_space<vmem>>)
      tpu.yield
    }) : () -> ()
    %get3A = arith.constant 0 : index
    %get3A_3 = tpu.vector_load %arg7[%get3A] {strides = array<i32>} : memref<128xi32, #tpu.memory_space<vmem>>, vector<16xi32>,
    %gather3A = tpu.vector_load_idx %arg9[%get3A_3] : memref<16xi32, #tpu.memory_space<vmem>>[vector<16xi32>], vector<16xi32>,
    %get3A_4 = arith.constant 0 : index
    %get3A_5 = tpu.vector_load %arg8[%get3A_4] {strides = array<i32>} : memref<128xi32, #tpu.memory_space<vmem>>, vector<16xi32>,
    %add3A_6 = arith.addi %gather3A, %get3A_5 : vector<16xi32>
    %dma_start3A = arith.constant 0 : i32
    %dma_start3A_7 = arith.constant 0 : i32
    %dma_start3A_8 = arith.constant 0 : i32
    %dma_start3A_9 = arith.constant 0 : i32
    %dma_start3A_10 = tpu.memref_slice %arg10[%dma_start3A, %dma_start3A_8, %dma_start3A_9] : memref<2x16x1024xf32, #tpu.memory_space<vmem>> -> memref<1x16x1024xf32, #tpu.memory_space<vmem>>
    %dma_start3A_11 = tpu.memref_squeeze %dma_start3A_10 : memref<1x16x1024xf32, #tpu.memory_space<vmem>> -> memref<16x1024xf32, #tpu.memory_space<vmem>>
    %dma_start3A_12 = arith.constant 0 : i32
    %dma_start3A_13 = arith.constant 0 : i32
    %dma_start3A_14 = tpu.memref_slice %arg5[%dma_start3A_12, %dma_start3A_13] : memref<6144x1024xf32, #tpu.memory_space<hbm>> -> memref<6144x1024xf32, #tpu.memory_space<hbm>>
    %dma_start3A_15 = tpu.memref_slice %arg11[%dma_start3A_7] : memref<2x!tpu.dma_semaphore, #tpu.memory_space<semaphore_mem>> -> memref<1x!tpu.dma_semaphore, #tpu.memory_space<semaphore_mem>>
    %dma_start3A_16 = tpu.memref_squeeze %dma_start3A_15 : memref<1x!tpu.dma_semaphore, #tpu.memory_space<semaphore_mem>> -> memref<!tpu.dma_semaphore, #tpu.memory_space<semaphore_mem>>
    tpu.enqueue_indirect_dma source(%dma_start3A_14 : memref<6144x1024xf32, #tpu.memory_space<hbm>>) target(%dma_start3A_11 : memref<16x1024xf32, #tpu.memory_space<vmem>>) offsets(%add3A_6 : vector<16xi32>) semaphore(%dma_start3A_16 : memref<!tpu.dma_semaphore, #tpu.memory_space<semaphore_mem>>)
    %scan3A = arith.constant 0 : i32
    %scan3A_17 = arith.constant 0 : i32
    %scan3A_18 = arith.constant 8 : i32
    %scan3A_19 = arith.addi %scan3A_17, %scan3A_18 : i32
    %scan3A_20 = arith.constant 1 : i32
    scf.for %scan3A_22 = %scan3A_17 to %scan3A_19 step %scan3A_20  : i32 {
      %rem3A = arith.constant 2 : i32
      %rem3A_23 = arith.remsi %scan3A_22, %rem3A : i32
      %lt3A = arith.constant 7 : i32
      %lt3A_24 = arith.cmpi slt, %scan3A_22, %lt3A : i32
      %convert_element_type3A = arith.extui %lt3A_24 : i1 to i32
      %cond3A = arith.constant 0 : i32
      %cond3A_25 = arith.cmpi ne, %convert_element_type3A, %cond3A : i32
      scf.if %cond3A_25 {
        %add3A_73 = arith.constant 1 : i32
        %add3A_74 = arith.addi %scan3A_22, %add3A_73 : i32
        %sub3A = arith.constant 1 : i32
        %sub3A_75 = arith.subi %sub3A, %rem3A_23 : i32
        %mul3A_76 = arith.constant 16 : i32
        %mul3A_77 = arith.muli %add3A_74, %mul3A_76 : i32
        %get3A_78 = arith.index_cast %mul3A_77 : i32 to index
        %get3A_79 = tpu.vector_load %arg7[%get3A_78] {strides = array<i32>} : memref<128xi32, #tpu.memory_space<vmem>>, vector<16xi32>,
        %gather3A_80 = tpu.vector_load_idx %arg9[%get3A_79] : memref<16xi32, #tpu.memory_space<vmem>>[vector<16xi32>], vector<16xi32>,
        %get3A_81 = arith.index_cast %mul3A_77 : i32 to index
        %get3A_82 = tpu.vector_load %arg8[%get3A_81] {strides = array<i32>} : memref<128xi32, #tpu.memory_space<vmem>>, vector<16xi32>,
        %add3A_83 = arith.addi %gather3A_80, %get3A_82 : vector<16xi32>
        %dma_start3A_84 = arith.constant 0 : i32
        %dma_start3A_85 = arith.constant 0 : i32
        %dma_start3A_86 = tpu.memref_slice %arg10[%sub3A_75, %dma_start3A_84, %dma_start3A_85] : memref<2x16x1024xf32, #tpu.memory_space<vmem>> -> memref<1x16x1024xf32, #tpu.memory_space<vmem>>
        %dma_start3A_87 = tpu.memref_squeeze %dma_start3A_86 : memref<1x16x1024xf32, #tpu.memory_space<vmem>> -> memref<16x1024xf32, #tpu.memory_space<vmem>>
        %dma_start3A_88 = arith.constant 0 : i32
        %dma_start3A_89 = arith.constant 0 : i32
        %dma_start3A_90 = tpu.memref_slice %arg5[%dma_start3A_88, %dma_start3A_89] : memref<6144x1024xf32, #tpu.memory_space<hbm>> -> memref<6144x1024xf32, #tpu.memory_space<hbm>>
        %dma_start3A_91 = tpu.memref_slice %arg11[%sub3A_75] : memref<2x!tpu.dma_semaphore, #tpu.memory_space<semaphore_mem>> -> memref<1x!tpu.dma_semaphore, #tpu.memory_space<semaphore_mem>>
        %dma_start3A_92 = tpu.memref_squeeze %dma_start3A_91 : memref<1x!tpu.dma_semaphore, #tpu.memory_space<semaphore_mem>> -> memref<!tpu.dma_semaphore, #tpu.memory_space<semaphore_mem>>
        tpu.enqueue_indirect_dma source(%dma_start3A_90 : memref<6144x1024xf32, #tpu.memory_space<hbm>>) target(%dma_start3A_87 : memref<16x1024xf32, #tpu.memory_space<vmem>>) offsets(%add3A_83 : vector<16xi32>) semaphore(%dma_start3A_92 : memref<!tpu.dma_semaphore, #tpu.memory_space<semaphore_mem>>)
      } else {
      }
      %mul3A_26 = arith.constant 16 : i32
      %mul3A_27 = arith.muli %scan3A_22, %mul3A_26 : i32
      %get3A_28 = arith.index_cast %mul3A_27 : i32 to index
      %get3A_29 = tpu.vector_load %arg7[%get3A_28] {strides = array<i32>} : memref<128xi32, #tpu.memory_space<vmem>>, vector<16xi32>,
      %gather3A_30 = tpu.vector_load_idx %arg9[%get3A_29] : memref<16xi32, #tpu.memory_space<vmem>>[vector<16xi32>], vector<16xi32>,
      %get3A_31 = arith.index_cast %mul3A_27 : i32 to index
      %get3A_32 = tpu.vector_load %arg8[%get3A_31] {strides = array<i32>} : memref<128xi32, #tpu.memory_space<vmem>>, vector<16xi32>,
      %add3A_33 = arith.addi %gather3A_30, %get3A_32 : vector<16xi32>
      %dma_wait3A = arith.constant 0 : i32
      %dma_wait3A_34 = arith.constant 0 : i32
      %dma_wait3A_35 = tpu.memref_slice %arg10[%rem3A_23, %dma_wait3A, %dma_wait3A_34] : memref<2x16x1024xf32, #tpu.memory_space<vmem>> -> memref<1x16x1024xf32, #tpu.memory_space<vmem>>
      %dma_wait3A_36 = tpu.memref_squeeze %dma_wait3A_35 : memref<1x16x1024xf32, #tpu.memory_space<vmem>> -> memref<16x1024xf32, #tpu.memory_space<vmem>>
      %dma_wait3A_37 = arith.constant 0 : i32
      %dma_wait3A_38 = arith.constant 0 : i32
      %dma_wait3A_39 = tpu.memref_slice %arg5[%dma_wait3A_37, %dma_wait3A_38] : memref<6144x1024xf32, #tpu.memory_space<hbm>> -> memref<6144x1024xf32, #tpu.memory_space<hbm>>
      %dma_wait3A_40 = tpu.memref_slice %arg11[%rem3A_23] : memref<2x!tpu.dma_semaphore, #tpu.memory_space<semaphore_mem>> -> memref<1x!tpu.dma_semaphore, #tpu.memory_space<semaphore_mem>>
      %dma_wait3A_41 = tpu.memref_squeeze %dma_wait3A_40 : memref<1x!tpu.dma_semaphore, #tpu.memory_space<semaphore_mem>> -> memref<!tpu.dma_semaphore, #tpu.memory_space<semaphore_mem>>
      tpu.wait_indirect_dma semaphore(%dma_wait3A_41 : memref<!tpu.dma_semaphore, #tpu.memory_space<semaphore_mem>>) src(%dma_wait3A_39 : memref<6144x1024xf32, #tpu.memory_space<hbm>>) dst(%dma_wait3A_36 : memref<16x1024xf32, #tpu.memory_space<vmem>>)
      %mul3A_42 = arith.constant 16 : i32
      %mul3A_43 = arith.muli %scan3A_22, %mul3A_42 : i32
      %add3A_44 = arith.addi %mul3A_2, %mul3A_43 : i32
      %dma_start3A_45 = arith.constant 0 : i32
      %dma_start3A_46 = arith.constant 0 : i32
      %dma_start3A_47 = tpu.memref_slice %arg10[%rem3A_23, %dma_start3A_45, %dma_start3A_46] : memref<2x16x1024xf32, #tpu.memory_space<vmem>> -> memref<1x16x1024xf32, #tpu.memory_space<vmem>>
      %dma_start3A_48 = tpu.memref_squeeze %dma_start3A_47 : memref<1x16x1024xf32, #tpu.memory_space<vmem>> -> memref<16x1024xf32, #tpu.memory_space<vmem>>
      %dma_start3A_49 = arith.constant 0 : i32
      %dma_start3A_50 = tpu.memref_slice %arg6[%add3A_44, %dma_start3A_49] : memref<4096x1024xf32, #tpu.memory_space<hbm>> -> memref<16x1024xf32, #tpu.memory_space<hbm>>
      %dma_start3A_51 = tpu.memref_slice %arg12[%rem3A_23] : memref<2x!tpu.dma_semaphore, #tpu.memory_space<semaphore_mem>> -> memref<1x!tpu.dma_semaphore, #tpu.memory_space<semaphore_mem>>
      %dma_start3A_52 = tpu.memref_squeeze %dma_start3A_51 : memref<1x!tpu.dma_semaphore, #tpu.memory_space<semaphore_mem>> -> memref<!tpu.dma_semaphore, #tpu.memory_space<semaphore_mem>>
      %dma_start3A_53 = arith.constant 0 : i32
      %dma_start3A_54 = tpu.memref_slice %arg6[%add3A_44, %dma_start3A_53] : memref<4096x1024xf32, #tpu.memory_space<hbm>> -> memref<16x1024xf32, #tpu.memory_space<hbm>>
      %dma_start3A_55 = arith.constant 0 : i32
      %dma_start3A_56 = arith.constant 0 : i32
      %dma_start3A_57 = tpu.memref_slice %arg10[%rem3A_23, %dma_start3A_55, %dma_start3A_56] : memref<2x16x1024xf32, #tpu.memory_space<vmem>> -> memref<1x16x1024xf32, #tpu.memory_space<vmem>>
      %dma_start3A_58 = tpu.memref_squeeze %dma_start3A_57 : memref<1x16x1024xf32, #tpu.memory_space<vmem>> -> memref<16x1024xf32, #tpu.memory_space<vmem>>
      tpu.enqueue_dma source(%dma_start3A_58 : memref<16x1024xf32, #tpu.memory_space<vmem>>) target(%dma_start3A_54 : memref<16x1024xf32, #tpu.memory_space<hbm>>) target_semaphore(%dma_start3A_52 : memref<!tpu.dma_semaphore, #tpu.memory_space<semaphore_mem>>)
      %dma_wait3A_59 = arith.constant 0 : i32
      %dma_wait3A_60 = arith.constant 0 : i32
      %dma_wait3A_61 = tpu.memref_slice %arg10[%rem3A_23, %dma_wait3A_59, %dma_wait3A_60] : memref<2x16x1024xf32, #tpu.memory_space<vmem>> -> memref<1x16x1024xf32, #tpu.memory_space<vmem>>
      %dma_wait3A_62 = tpu.memref_squeeze %dma_wait3A_61 : memref<1x16x1024xf32, #tpu.memory_space<vmem>> -> memref<16x1024xf32, #tpu.memory_space<vmem>>
      %dma_wait3A_63 = arith.constant 0 : i32
      %dma_wait3A_64 = tpu.memref_slice %arg6[%add3A_44, %dma_wait3A_63] : memref<4096x1024xf32, #tpu.memory_space<hbm>> -> memref<16x1024xf32, #tpu.memory_space<hbm>>
      %dma_wait3A_65 = tpu.memref_slice %arg12[%rem3A_23] : memref<2x!tpu.dma_semaphore, #tpu.memory_space<semaphore_mem>> -> memref<1x!tpu.dma_semaphore, #tpu.memory_space<semaphore_mem>>
      %dma_wait3A_66 = tpu.memref_squeeze %dma_wait3A_65 : memref<1x!tpu.dma_semaphore, #tpu.memory_space<semaphore_mem>> -> memref<!tpu.dma_semaphore, #tpu.memory_space<semaphore_mem>>
      %dma_wait3A_67 = arith.constant 0 : i32
      %dma_wait3A_68 = tpu.memref_slice %arg6[%add3A_44, %dma_wait3A_67] : memref<4096x1024xf32, #tpu.memory_space<hbm>> -> memref<16x1024xf32, #tpu.memory_space<hbm>>
      %dma_wait3A_69 = arith.constant 0 : i32
      %dma_wait3A_70 = arith.constant 0 : i32
      %dma_wait3A_71 = tpu.memref_slice %arg10[%rem3A_23, %dma_wait3A_69, %dma_wait3A_70] : memref<2x16x1024xf32, #tpu.memory_space<vmem>> -> memref<1x16x1024xf32, #tpu.memory_space<vmem>>
      %dma_wait3A_72 = tpu.memref_squeeze %dma_wait3A_71 : memref<1x16x1024xf32, #tpu.memory_space<vmem>> -> memref<16x1024xf32, #tpu.memory_space<vmem>>
      tpu.wait_dma2 semaphore(%dma_wait3A_66 : memref<!tpu.dma_semaphore, #tpu.memory_space<semaphore_mem>>) src(%dma_wait3A_72 : memref<16x1024xf32, #tpu.memory_space<vmem>>) dst(%dma_wait3A_68 : memref<16x1024xf32, #tpu.memory_space<hbm>>)
    }
    %scan3A_21 = arith.constant 8 : i32
    return
  }
}

#map = affine_map<(d0, d1) -> (0, 0)>
#map1 = affine_map<(d0, d1) -> (0)>
module attributes {stable_mosaic.version = 14 : i64} {
  func.func @_dispatch_body(%arg0: i32, %arg1: i32, %arg2: memref<4096x1024xf32, #tpu.memory_space<hbm>>, %arg3: memref<4096xi32, #tpu.memory_space<hbm>>, %arg4: memref<4096xi32, #tpu.memory_space<hbm>>, %arg5: memref<16xi32, #tpu.memory_space<hbm>>, %arg6: memref<4096x128xf32, #tpu.memory_space<hbm>>, %arg7: memref<6144x1024xf32, #tpu.memory_space<hbm>>, %arg8: memref<6144x128xf32, #tpu.memory_space<hbm>>, %arg9: memref<128xi32, #tpu.memory_space<vmem>>, %arg10: memref<128xi32, #tpu.memory_space<vmem>>, %arg11: memref<16xi32, #tpu.memory_space<vmem>>, %arg12: memref<2x16x1024xf32, #tpu.memory_space<vmem>>, %arg13: memref<2x16x128xf32, #tpu.memory_space<vmem>>, %arg14: memref<2x!tpu.dma_semaphore, #tpu.memory_space<semaphore_mem>>, %arg15: memref<2x!tpu.dma_semaphore, #tpu.memory_space<semaphore_mem>>, %arg16: memref<2x!tpu.dma_semaphore, #tpu.memory_space<semaphore_mem>>, %arg17: memref<2x!tpu.dma_semaphore, #tpu.memory_space<semaphore_mem>>) attributes {dimension_semantics = [#tpu.dimension_semantics<core_parallel>, #tpu.dimension_semantics<subcore_parallel>], iteration_bounds = array<i64: 2, 16>, scalar_prefetch = 0 : i64, scratch_operands = 9 : i64, tpu.core_type = #tpu.core_type<sc_vector_subcore>, window_params = [{transform_indices = #map}, {transform_indices = #map1}, {transform_indices = #map1}, {transform_indices = #map1}, {transform_indices = #map}, {transform_indices = #map}, {transform_indices = #map}]} {
    %mul3A = arith.constant 2 : i32
    %mul3A_0 = arith.muli %arg1, %mul3A : i32
    %add3A = arith.addi %mul3A_0, %arg0 : i32
    %mul3A_1 = arith.constant 128 : i32
    %mul3A_2 = arith.muli %add3A, %mul3A_1 : i32
    "tpu.region"() ({
      %run_scoped3A = tpu.sem_alloc : memref<!tpu.dma_semaphore, #tpu.memory_space<semaphore_mem>>
      %dma_start3A_41 = tpu.memref_slice %arg3[%mul3A_2] : memref<4096xi32, #tpu.memory_space<hbm>> -> memref<128xi32, #tpu.memory_space<hbm>>
      %dma_start3A_42 = tpu.memref_slice %arg3[%mul3A_2] : memref<4096xi32, #tpu.memory_space<hbm>> -> memref<128xi32, #tpu.memory_space<hbm>>
      tpu.enqueue_dma source(%dma_start3A_42 : memref<128xi32, #tpu.memory_space<hbm>>) target(%arg9 : memref<128xi32, #tpu.memory_space<vmem>>) target_semaphore(%run_scoped3A : memref<!tpu.dma_semaphore, #tpu.memory_space<semaphore_mem>>)
      %dma_wait3A = tpu.memref_slice %arg3[%mul3A_2] : memref<4096xi32, #tpu.memory_space<hbm>> -> memref<128xi32, #tpu.memory_space<hbm>>
      %dma_wait3A_43 = tpu.memref_slice %arg3[%mul3A_2] : memref<4096xi32, #tpu.memory_space<hbm>> -> memref<128xi32, #tpu.memory_space<hbm>>
      tpu.wait_dma2 semaphore(%run_scoped3A : memref<!tpu.dma_semaphore, #tpu.memory_space<semaphore_mem>>) src(%dma_wait3A_43 : memref<128xi32, #tpu.memory_space<hbm>>) dst(%arg9 : memref<128xi32, #tpu.memory_space<vmem>>)
      tpu.yield
    }) : () -> ()
    "tpu.region"() ({
      %run_scoped3A = tpu.sem_alloc : memref<!tpu.dma_semaphore, #tpu.memory_space<semaphore_mem>>
      %dma_start3A_41 = tpu.memref_slice %arg4[%mul3A_2] : memref<4096xi32, #tpu.memory_space<hbm>> -> memref<128xi32, #tpu.memory_space<hbm>>
      %dma_start3A_42 = tpu.memref_slice %arg4[%mul3A_2] : memref<4096xi32, #tpu.memory_space<hbm>> -> memref<128xi32, #tpu.memory_space<hbm>>
      tpu.enqueue_dma source(%dma_start3A_42 : memref<128xi32, #tpu.memory_space<hbm>>) target(%arg10 : memref<128xi32, #tpu.memory_space<vmem>>) target_semaphore(%run_scoped3A : memref<!tpu.dma_semaphore, #tpu.memory_space<semaphore_mem>>)
      %dma_wait3A = tpu.memref_slice %arg4[%mul3A_2] : memref<4096xi32, #tpu.memory_space<hbm>> -> memref<128xi32, #tpu.memory_space<hbm>>
      %dma_wait3A_43 = tpu.memref_slice %arg4[%mul3A_2] : memref<4096xi32, #tpu.memory_space<hbm>> -> memref<128xi32, #tpu.memory_space<hbm>>
      tpu.wait_dma2 semaphore(%run_scoped3A : memref<!tpu.dma_semaphore, #tpu.memory_space<semaphore_mem>>) src(%dma_wait3A_43 : memref<128xi32, #tpu.memory_space<hbm>>) dst(%arg10 : memref<128xi32, #tpu.memory_space<vmem>>)
      tpu.yield
    }) : () -> ()
    "tpu.region"() ({
      %run_scoped3A = tpu.sem_alloc : memref<!tpu.dma_semaphore, #tpu.memory_space<semaphore_mem>>
      tpu.enqueue_dma source(%arg5 : memref<16xi32, #tpu.memory_space<hbm>>) target(%arg11 : memref<16xi32, #tpu.memory_space<vmem>>) target_semaphore(%run_scoped3A : memref<!tpu.dma_semaphore, #tpu.memory_space<semaphore_mem>>)
      tpu.wait_dma2 semaphore(%run_scoped3A : memref<!tpu.dma_semaphore, #tpu.memory_space<semaphore_mem>>) src(%arg5 : memref<16xi32, #tpu.memory_space<hbm>>) dst(%arg11 : memref<16xi32, #tpu.memory_space<vmem>>)
      tpu.yield
    }) : () -> ()
    %add3A_3 = arith.constant 0 : i32
    %add3A_4 = arith.addi %mul3A_2, %add3A_3 : i32
    %dma_start3A = arith.constant 0 : i32
    %dma_start3A_5 = arith.constant 0 : i32
    %dma_start3A_6 = arith.constant 0 : i32
    %dma_start3A_7 = arith.constant 0 : i32
    %dma_start3A_8 = tpu.memref_slice %arg12[%dma_start3A, %dma_start3A_6, %dma_start3A_7] : memref<2x16x1024xf32, #tpu.memory_space<vmem>> -> memref<1x16x1024xf32, #tpu.memory_space<vmem>>
    %dma_start3A_9 = tpu.memref_squeeze %dma_start3A_8 : memref<1x16x1024xf32, #tpu.memory_space<vmem>> -> memref<16x1024xf32, #tpu.memory_space<vmem>>
    %dma_start3A_10 = arith.constant 0 : i32
    %dma_start3A_11 = tpu.memref_slice %arg2[%add3A_4, %dma_start3A_10] : memref<4096x1024xf32, #tpu.memory_space<hbm>> -> memref<16x1024xf32, #tpu.memory_space<hbm>>
    %dma_start3A_12 = tpu.memref_slice %arg14[%dma_start3A_5] : memref<2x!tpu.dma_semaphore, #tpu.memory_space<semaphore_mem>> -> memref<1x!tpu.dma_semaphore, #tpu.memory_space<semaphore_mem>>
    %dma_start3A_13 = tpu.memref_squeeze %dma_start3A_12 : memref<1x!tpu.dma_semaphore, #tpu.memory_space<semaphore_mem>> -> memref<!tpu.dma_semaphore, #tpu.memory_space<semaphore_mem>>
    %dma_start3A_14 = arith.constant 0 : i32
    %dma_start3A_15 = arith.constant 0 : i32
    %dma_start3A_16 = tpu.memref_slice %arg12[%dma_start3A, %dma_start3A_14, %dma_start3A_15] : memref<2x16x1024xf32, #tpu.memory_space<vmem>> -> memref<1x16x1024xf32, #tpu.memory_space<vmem>>
    %dma_start3A_17 = tpu.memref_squeeze %dma_start3A_16 : memref<1x16x1024xf32, #tpu.memory_space<vmem>> -> memref<16x1024xf32, #tpu.memory_space<vmem>>
    %dma_start3A_18 = arith.constant 0 : i32
    %dma_start3A_19 = tpu.memref_slice %arg2[%add3A_4, %dma_start3A_18] : memref<4096x1024xf32, #tpu.memory_space<hbm>> -> memref<16x1024xf32, #tpu.memory_space<hbm>>
    tpu.enqueue_dma source(%dma_start3A_19 : memref<16x1024xf32, #tpu.memory_space<hbm>>) target(%dma_start3A_17 : memref<16x1024xf32, #tpu.memory_space<vmem>>) target_semaphore(%dma_start3A_13 : memref<!tpu.dma_semaphore, #tpu.memory_space<semaphore_mem>>)
    %dma_start3A_20 = arith.constant 0 : i32
    %dma_start3A_21 = arith.constant 0 : i32
    %dma_start3A_22 = arith.constant 0 : i32
    %dma_start3A_23 = arith.constant 0 : i32
    %dma_start3A_24 = tpu.memref_slice %arg13[%dma_start3A_20, %dma_start3A_22, %dma_start3A_23] : memref<2x16x128xf32, #tpu.memory_space<vmem>> -> memref<1x16x128xf32, #tpu.memory_space<vmem>>
    %dma_start3A_25 = tpu.memref_squeeze %dma_start3A_24 : memref<1x16x128xf32, #tpu.memory_space<vmem>> -> memref<16x128xf32, #tpu.memory_space<vmem>>
    %dma_start3A_26 = arith.constant 0 : i32
    %dma_start3A_27 = tpu.memref_slice %arg6[%add3A_4, %dma_start3A_26] : memref<4096x128xf32, #tpu.memory_space<hbm>> -> memref<16x128xf32, #tpu.memory_space<hbm>>
    %dma_start3A_28 = tpu.memref_slice %arg15[%dma_start3A_21] : memref<2x!tpu.dma_semaphore, #tpu.memory_space<semaphore_mem>> -> memref<1x!tpu.dma_semaphore, #tpu.memory_space<semaphore_mem>>
    %dma_start3A_29 = tpu.memref_squeeze %dma_start3A_28 : memref<1x!tpu.dma_semaphore, #tpu.memory_space<semaphore_mem>> -> memref<!tpu.dma_semaphore, #tpu.memory_space<semaphore_mem>>
    %dma_start3A_30 = arith.constant 0 : i32
    %dma_start3A_31 = arith.constant 0 : i32
    %dma_start3A_32 = tpu.memref_slice %arg13[%dma_start3A_20, %dma_start3A_30, %dma_start3A_31] : memref<2x16x128xf32, #tpu.memory_space<vmem>> -> memref<1x16x128xf32, #tpu.memory_space<vmem>>
    %dma_start3A_33 = tpu.memref_squeeze %dma_start3A_32 : memref<1x16x128xf32, #tpu.memory_space<vmem>> -> memref<16x128xf32, #tpu.memory_space<vmem>>
    %dma_start3A_34 = arith.constant 0 : i32
    %dma_start3A_35 = tpu.memref_slice %arg6[%add3A_4, %dma_start3A_34] : memref<4096x128xf32, #tpu.memory_space<hbm>> -> memref<16x128xf32, #tpu.memory_space<hbm>>
    tpu.enqueue_dma source(%dma_start3A_35 : memref<16x128xf32, #tpu.memory_space<hbm>>) target(%dma_start3A_33 : memref<16x128xf32, #tpu.memory_space<vmem>>) target_semaphore(%dma_start3A_29 : memref<!tpu.dma_semaphore, #tpu.memory_space<semaphore_mem>>)
    %scan3A = arith.constant 0 : i32
    %scan3A_36 = arith.constant 0 : i32
    %scan3A_37 = arith.constant 8 : i32
    %scan3A_38 = arith.addi %scan3A_36, %scan3A_37 : i32
    %scan3A_39 = arith.constant 1 : i32
    scf.for %scan3A_41 = %scan3A_36 to %scan3A_38 step %scan3A_39  : i32 {
      %rem3A = arith.constant 2 : i32
      %rem3A_42 = arith.remsi %scan3A_41, %rem3A : i32
      %lt3A = arith.constant 7 : i32
      %lt3A_43 = arith.cmpi slt, %scan3A_41, %lt3A : i32
      %convert_element_type3A = arith.extui %lt3A_43 : i1 to i32
      %cond3A = arith.constant 0 : i32
      %cond3A_44 = arith.cmpi ne, %convert_element_type3A, %cond3A : i32
      scf.if %cond3A_44 {
        %add3A_117 = arith.constant 1 : i32
        %add3A_118 = arith.addi %scan3A_41, %add3A_117 : i32
        %sub3A = arith.constant 1 : i32
        %sub3A_119 = arith.subi %sub3A, %rem3A_42 : i32
        %mul3A_120 = arith.constant 16 : i32
        %mul3A_121 = arith.muli %add3A_118, %mul3A_120 : i32
        %add3A_122 = arith.addi %mul3A_2, %mul3A_121 : i32
        %dma_start3A_123 = arith.constant 0 : i32
        %dma_start3A_124 = arith.constant 0 : i32
        %dma_start3A_125 = tpu.memref_slice %arg12[%sub3A_119, %dma_start3A_123, %dma_start3A_124] : memref<2x16x1024xf32, #tpu.memory_space<vmem>> -> memref<1x16x1024xf32, #tpu.memory_space<vmem>>
        %dma_start3A_126 = tpu.memref_squeeze %dma_start3A_125 : memref<1x16x1024xf32, #tpu.memory_space<vmem>> -> memref<16x1024xf32, #tpu.memory_space<vmem>>
        %dma_start3A_127 = arith.constant 0 : i32
        %dma_start3A_128 = tpu.memref_slice %arg2[%add3A_122, %dma_start3A_127] : memref<4096x1024xf32, #tpu.memory_space<hbm>> -> memref<16x1024xf32, #tpu.memory_space<hbm>>
        %dma_start3A_129 = tpu.memref_slice %arg14[%sub3A_119] : memref<2x!tpu.dma_semaphore, #tpu.memory_space<semaphore_mem>> -> memref<1x!tpu.dma_semaphore, #tpu.memory_space<semaphore_mem>>
        %dma_start3A_130 = tpu.memref_squeeze %dma_start3A_129 : memref<1x!tpu.dma_semaphore, #tpu.memory_space<semaphore_mem>> -> memref<!tpu.dma_semaphore, #tpu.memory_space<semaphore_mem>>
        %dma_start3A_131 = arith.constant 0 : i32
        %dma_start3A_132 = arith.constant 0 : i32
        %dma_start3A_133 = tpu.memref_slice %arg12[%sub3A_119, %dma_start3A_131, %dma_start3A_132] : memref<2x16x1024xf32, #tpu.memory_space<vmem>> -> memref<1x16x1024xf32, #tpu.memory_space<vmem>>
        %dma_start3A_134 = tpu.memref_squeeze %dma_start3A_133 : memref<1x16x1024xf32, #tpu.memory_space<vmem>> -> memref<16x1024xf32, #tpu.memory_space<vmem>>
        %dma_start3A_135 = arith.constant 0 : i32
        %dma_start3A_136 = tpu.memref_slice %arg2[%add3A_122, %dma_start3A_135] : memref<4096x1024xf32, #tpu.memory_space<hbm>> -> memref<16x1024xf32, #tpu.memory_space<hbm>>
        tpu.enqueue_dma source(%dma_start3A_136 : memref<16x1024xf32, #tpu.memory_space<hbm>>) target(%dma_start3A_134 : memref<16x1024xf32, #tpu.memory_space<vmem>>) target_semaphore(%dma_start3A_130 : memref<!tpu.dma_semaphore, #tpu.memory_space<semaphore_mem>>)
        %dma_start3A_137 = arith.constant 0 : i32
        %dma_start3A_138 = arith.constant 0 : i32
        %dma_start3A_139 = tpu.memref_slice %arg13[%sub3A_119, %dma_start3A_137, %dma_start3A_138] : memref<2x16x128xf32, #tpu.memory_space<vmem>> -> memref<1x16x128xf32, #tpu.memory_space<vmem>>
        %dma_start3A_140 = tpu.memref_squeeze %dma_start3A_139 : memref<1x16x128xf32, #tpu.memory_space<vmem>> -> memref<16x128xf32, #tpu.memory_space<vmem>>
        %dma_start3A_141 = arith.constant 0 : i32
        %dma_start3A_142 = tpu.memref_slice %arg6[%add3A_122, %dma_start3A_141] : memref<4096x128xf32, #tpu.memory_space<hbm>> -> memref<16x128xf32, #tpu.memory_space<hbm>>
        %dma_start3A_143 = tpu.memref_slice %arg15[%sub3A_119] : memref<2x!tpu.dma_semaphore, #tpu.memory_space<semaphore_mem>> -> memref<1x!tpu.dma_semaphore, #tpu.memory_space<semaphore_mem>>
        %dma_start3A_144 = tpu.memref_squeeze %dma_start3A_143 : memref<1x!tpu.dma_semaphore, #tpu.memory_space<semaphore_mem>> -> memref<!tpu.dma_semaphore, #tpu.memory_space<semaphore_mem>>
        %dma_start3A_145 = arith.constant 0 : i32
        %dma_start3A_146 = arith.constant 0 : i32
        %dma_start3A_147 = tpu.memref_slice %arg13[%sub3A_119, %dma_start3A_145, %dma_start3A_146] : memref<2x16x128xf32, #tpu.memory_space<vmem>> -> memref<1x16x128xf32, #tpu.memory_space<vmem>>
        %dma_start3A_148 = tpu.memref_squeeze %dma_start3A_147 : memref<1x16x128xf32, #tpu.memory_space<vmem>> -> memref<16x128xf32, #tpu.memory_space<vmem>>
        %dma_start3A_149 = arith.constant 0 : i32
        %dma_start3A_150 = tpu.memref_slice %arg6[%add3A_122, %dma_start3A_149] : memref<4096x128xf32, #tpu.memory_space<hbm>> -> memref<16x128xf32, #tpu.memory_space<hbm>>
        tpu.enqueue_dma source(%dma_start3A_150 : memref<16x128xf32, #tpu.memory_space<hbm>>) target(%dma_start3A_148 : memref<16x128xf32, #tpu.memory_space<vmem>>) target_semaphore(%dma_start3A_144 : memref<!tpu.dma_semaphore, #tpu.memory_space<semaphore_mem>>)
      } else {
      }
      %mul3A_45 = arith.constant 16 : i32
      %mul3A_46 = arith.muli %scan3A_41, %mul3A_45 : i32
      %add3A_47 = arith.addi %mul3A_2, %mul3A_46 : i32
      %dma_wait3A = arith.constant 0 : i32
      %dma_wait3A_48 = arith.constant 0 : i32
      %dma_wait3A_49 = tpu.memref_slice %arg12[%rem3A_42, %dma_wait3A, %dma_wait3A_48] : memref<2x16x1024xf32, #tpu.memory_space<vmem>> -> memref<1x16x1024xf32, #tpu.memory_space<vmem>>
      %dma_wait3A_50 = tpu.memref_squeeze %dma_wait3A_49 : memref<1x16x1024xf32, #tpu.memory_space<vmem>> -> memref<16x1024xf32, #tpu.memory_space<vmem>>
      %dma_wait3A_51 = arith.constant 0 : i32
      %dma_wait3A_52 = tpu.memref_slice %arg2[%add3A_47, %dma_wait3A_51] : memref<4096x1024xf32, #tpu.memory_space<hbm>> -> memref<16x1024xf32, #tpu.memory_space<hbm>>
      %dma_wait3A_53 = tpu.memref_slice %arg14[%rem3A_42] : memref<2x!tpu.dma_semaphore, #tpu.memory_space<semaphore_mem>> -> memref<1x!tpu.dma_semaphore, #tpu.memory_space<semaphore_mem>>
      %dma_wait3A_54 = tpu.memref_squeeze %dma_wait3A_53 : memref<1x!tpu.dma_semaphore, #tpu.memory_space<semaphore_mem>> -> memref<!tpu.dma_semaphore, #tpu.memory_space<semaphore_mem>>
      %dma_wait3A_55 = arith.constant 0 : i32
      %dma_wait3A_56 = arith.constant 0 : i32
      %dma_wait3A_57 = tpu.memref_slice %arg12[%rem3A_42, %dma_wait3A_55, %dma_wait3A_56] : memref<2x16x1024xf32, #tpu.memory_space<vmem>> -> memref<1x16x1024xf32, #tpu.memory_space<vmem>>
      %dma_wait3A_58 = tpu.memref_squeeze %dma_wait3A_57 : memref<1x16x1024xf32, #tpu.memory_space<vmem>> -> memref<16x1024xf32, #tpu.memory_space<vmem>>
      %dma_wait3A_59 = arith.constant 0 : i32
      %dma_wait3A_60 = tpu.memref_slice %arg2[%add3A_47, %dma_wait3A_59] : memref<4096x1024xf32, #tpu.memory_space<hbm>> -> memref<16x1024xf32, #tpu.memory_space<hbm>>
      tpu.wait_dma2 semaphore(%dma_wait3A_54 : memref<!tpu.dma_semaphore, #tpu.memory_space<semaphore_mem>>) src(%dma_wait3A_60 : memref<16x1024xf32, #tpu.memory_space<hbm>>) dst(%dma_wait3A_58 : memref<16x1024xf32, #tpu.memory_space<vmem>>)
      %dma_wait3A_61 = arith.constant 0 : i32
      %dma_wait3A_62 = arith.constant 0 : i32
      %dma_wait3A_63 = tpu.memref_slice %arg13[%rem3A_42, %dma_wait3A_61, %dma_wait3A_62] : memref<2x16x128xf32, #tpu.memory_space<vmem>> -> memref<1x16x128xf32, #tpu.memory_space<vmem>>
      %dma_wait3A_64 = tpu.memref_squeeze %dma_wait3A_63 : memref<1x16x128xf32, #tpu.memory_space<vmem>> -> memref<16x128xf32, #tpu.memory_space<vmem>>
      %dma_wait3A_65 = arith.constant 0 : i32
      %dma_wait3A_66 = tpu.memref_slice %arg6[%add3A_47, %dma_wait3A_65] : memref<4096x128xf32, #tpu.memory_space<hbm>> -> memref<16x128xf32, #tpu.memory_space<hbm>>
      %dma_wait3A_67 = tpu.memref_slice %arg15[%rem3A_42] : memref<2x!tpu.dma_semaphore, #tpu.memory_space<semaphore_mem>> -> memref<1x!tpu.dma_semaphore, #tpu.memory_space<semaphore_mem>>
      %dma_wait3A_68 = tpu.memref_squeeze %dma_wait3A_67 : memref<1x!tpu.dma_semaphore, #tpu.memory_space<semaphore_mem>> -> memref<!tpu.dma_semaphore, #tpu.memory_space<semaphore_mem>>
      %dma_wait3A_69 = arith.constant 0 : i32
      %dma_wait3A_70 = arith.constant 0 : i32
      %dma_wait3A_71 = tpu.memref_slice %arg13[%rem3A_42, %dma_wait3A_69, %dma_wait3A_70] : memref<2x16x128xf32, #tpu.memory_space<vmem>> -> memref<1x16x128xf32, #tpu.memory_space<vmem>>
      %dma_wait3A_72 = tpu.memref_squeeze %dma_wait3A_71 : memref<1x16x128xf32, #tpu.memory_space<vmem>> -> memref<16x128xf32, #tpu.memory_space<vmem>>
      %dma_wait3A_73 = arith.constant 0 : i32
      %dma_wait3A_74 = tpu.memref_slice %arg6[%add3A_47, %dma_wait3A_73] : memref<4096x128xf32, #tpu.memory_space<hbm>> -> memref<16x128xf32, #tpu.memory_space<hbm>>
      tpu.wait_dma2 semaphore(%dma_wait3A_68 : memref<!tpu.dma_semaphore, #tpu.memory_space<semaphore_mem>>) src(%dma_wait3A_74 : memref<16x128xf32, #tpu.memory_space<hbm>>) dst(%dma_wait3A_72 : memref<16x128xf32, #tpu.memory_space<vmem>>)
      %mul3A_75 = arith.constant 16 : i32
      %mul3A_76 = arith.muli %scan3A_41, %mul3A_75 : i32
      %get3A = arith.index_cast %mul3A_76 : i32 to index
      %get3A_77 = tpu.vector_load %arg9[%get3A] {strides = array<i32>} : memref<128xi32, #tpu.memory_space<vmem>>, vector<16xi32>,
      %gather3A = tpu.vector_load_idx %arg11[%get3A_77] : memref<16xi32, #tpu.memory_space<vmem>>[vector<16xi32>], vector<16xi32>,
      %get3A_78 = arith.index_cast %mul3A_76 : i32 to index
      %get3A_79 = tpu.vector_load %arg10[%get3A_78] {strides = array<i32>} : memref<128xi32, #tpu.memory_space<vmem>>, vector<16xi32>,
      %add3A_80 = arith.addi %gather3A, %get3A_79 : vector<16xi32>
      %dma_start3A_81 = arith.constant 0 : i32
      %dma_start3A_82 = arith.constant 0 : i32
      %dma_start3A_83 = tpu.memref_slice %arg12[%rem3A_42, %dma_start3A_81, %dma_start3A_82] : memref<2x16x1024xf32, #tpu.memory_space<vmem>> -> memref<1x16x1024xf32, #tpu.memory_space<vmem>>
      %dma_start3A_84 = tpu.memref_squeeze %dma_start3A_83 : memref<1x16x1024xf32, #tpu.memory_space<vmem>> -> memref<16x1024xf32, #tpu.memory_space<vmem>>
      %dma_start3A_85 = arith.constant 0 : i32
      %dma_start3A_86 = arith.constant 0 : i32
      %dma_start3A_87 = tpu.memref_slice %arg7[%dma_start3A_85, %dma_start3A_86] : memref<6144x1024xf32, #tpu.memory_space<hbm>> -> memref<6144x1024xf32, #tpu.memory_space<hbm>>
      %dma_start3A_88 = tpu.memref_slice %arg16[%rem3A_42] : memref<2x!tpu.dma_semaphore, #tpu.memory_space<semaphore_mem>> -> memref<1x!tpu.dma_semaphore, #tpu.memory_space<semaphore_mem>>
      %dma_start3A_89 = tpu.memref_squeeze %dma_start3A_88 : memref<1x!tpu.dma_semaphore, #tpu.memory_space<semaphore_mem>> -> memref<!tpu.dma_semaphore, #tpu.memory_space<semaphore_mem>>
      tpu.enqueue_indirect_dma source(%dma_start3A_84 : memref<16x1024xf32, #tpu.memory_space<vmem>>) target(%dma_start3A_87 : memref<6144x1024xf32, #tpu.memory_space<hbm>>) offsets(%add3A_80 : vector<16xi32>) semaphore(%dma_start3A_89 : memref<!tpu.dma_semaphore, #tpu.memory_space<semaphore_mem>>)
      %dma_start3A_90 = arith.constant 0 : i32
      %dma_start3A_91 = arith.constant 0 : i32
      %dma_start3A_92 = tpu.memref_slice %arg13[%rem3A_42, %dma_start3A_90, %dma_start3A_91] : memref<2x16x128xf32, #tpu.memory_space<vmem>> -> memref<1x16x128xf32, #tpu.memory_space<vmem>>
      %dma_start3A_93 = tpu.memref_squeeze %dma_start3A_92 : memref<1x16x128xf32, #tpu.memory_space<vmem>> -> memref<16x128xf32, #tpu.memory_space<vmem>>
      %dma_start3A_94 = arith.constant 0 : i32
      %dma_start3A_95 = arith.constant 0 : i32
      %dma_start3A_96 = tpu.memref_slice %arg8[%dma_start3A_94, %dma_start3A_95] : memref<6144x128xf32, #tpu.memory_space<hbm>> -> memref<6144x128xf32, #tpu.memory_space<hbm>>
      %dma_start3A_97 = tpu.memref_slice %arg17[%rem3A_42] : memref<2x!tpu.dma_semaphore, #tpu.memory_space<semaphore_mem>> -> memref<1x!tpu.dma_semaphore, #tpu.memory_space<semaphore_mem>>
      %dma_start3A_98 = tpu.memref_squeeze %dma_start3A_97 : memref<1x!tpu.dma_semaphore, #tpu.memory_space<semaphore_mem>> -> memref<!tpu.dma_semaphore, #tpu.memory_space<semaphore_mem>>
      tpu.enqueue_indirect_dma source(%dma_start3A_93 : memref<16x128xf32, #tpu.memory_space<vmem>>) target(%dma_start3A_96 : memref<6144x128xf32, #tpu.memory_space<hbm>>) offsets(%add3A_80 : vector<16xi32>) semaphore(%dma_start3A_98 : memref<!tpu.dma_semaphore, #tpu.memory_space<semaphore_mem>>)
      %dma_wait3A_99 = arith.constant 0 : i32
      %dma_wait3A_100 = arith.constant 0 : i32
      %dma_wait3A_101 = tpu.memref_slice %arg12[%rem3A_42, %dma_wait3A_99, %dma_wait3A_100] : memref<2x16x1024xf32, #tpu.memory_space<vmem>> -> memref<1x16x1024xf32, #tpu.memory_space<vmem>>
      %dma_wait3A_102 = tpu.memref_squeeze %dma_wait3A_101 : memref<1x16x1024xf32, #tpu.memory_space<vmem>> -> memref<16x1024xf32, #tpu.memory_space<vmem>>
      %dma_wait3A_103 = arith.constant 0 : i32
      %dma_wait3A_104 = arith.constant 0 : i32
      %dma_wait3A_105 = tpu.memref_slice %arg7[%dma_wait3A_103, %dma_wait3A_104] : memref<6144x1024xf32, #tpu.memory_space<hbm>> -> memref<6144x1024xf32, #tpu.memory_space<hbm>>
      %dma_wait3A_106 = tpu.memref_slice %arg16[%rem3A_42] : memref<2x!tpu.dma_semaphore, #tpu.memory_space<semaphore_mem>> -> memref<1x!tpu.dma_semaphore, #tpu.memory_space<semaphore_mem>>
      %dma_wait3A_107 = tpu.memref_squeeze %dma_wait3A_106 : memref<1x!tpu.dma_semaphore, #tpu.memory_space<semaphore_mem>> -> memref<!tpu.dma_semaphore, #tpu.memory_space<semaphore_mem>>
      tpu.wait_indirect_dma semaphore(%dma_wait3A_107 : memref<!tpu.dma_semaphore, #tpu.memory_space<semaphore_mem>>) src(%dma_wait3A_102 : memref<16x1024xf32, #tpu.memory_space<vmem>>) dst(%dma_wait3A_105 : memref<6144x1024xf32, #tpu.memory_space<hbm>>)
      %dma_wait3A_108 = arith.constant 0 : i32
      %dma_wait3A_109 = arith.constant 0 : i32
      %dma_wait3A_110 = tpu.memref_slice %arg13[%rem3A_42, %dma_wait3A_108, %dma_wait3A_109] : memref<2x16x128xf32, #tpu.memory_space<vmem>> -> memref<1x16x128xf32, #tpu.memory_space<vmem>>
      %dma_wait3A_111 = tpu.memref_squeeze %dma_wait3A_110 : memref<1x16x128xf32, #tpu.memory_space<vmem>> -> memref<16x128xf32, #tpu.memory_space<vmem>>
      %dma_wait3A_112 = arith.constant 0 : i32
      %dma_wait3A_113 = arith.constant 0 : i32
      %dma_wait3A_114 = tpu.memref_slice %arg8[%dma_wait3A_112, %dma_wait3A_113] : memref<6144x128xf32, #tpu.memory_space<hbm>> -> memref<6144x128xf32, #tpu.memory_space<hbm>>
      %dma_wait3A_115 = tpu.memref_slice %arg17[%rem3A_42] : memref<2x!tpu.dma_semaphore, #tpu.memory_space<semaphore_mem>> -> memref<1x!tpu.dma_semaphore, #tpu.memory_space<semaphore_mem>>
      %dma_wait3A_116 = tpu.memref_squeeze %dma_wait3A_115 : memref<1x!tpu.dma_semaphore, #tpu.memory_space<semaphore_mem>> -> memref<!tpu.dma_semaphore, #tpu.memory_space<semaphore_mem>>
      tpu.wait_indirect_dma semaphore(%dma_wait3A_116 : memref<!tpu.dma_semaphore, #tpu.memory_space<semaphore_mem>>) src(%dma_wait3A_111 : memref<16x128xf32, #tpu.memory_space<vmem>>) dst(%dma_wait3A_114 : memref<6144x128xf32, #tpu.memory_space<hbm>>)
    }
    %scan3A_40 = arith.constant 8 : i32
    return
  }
}

module attributes {stable_mosaic.version = 14 : i64} {
  func.func @_router_body(%arg0: i32, %arg1: memref<512x1024xf32, #tpu.memory_space<vmem>>, %arg2: memref<8x1024xf32, #tpu.memory_space<vmem>>, %arg3: memref<1x1x512xi32, #tpu.memory_space<vmem>>, %arg4: memref<1x1x512xi32, #tpu.memory_space<vmem>>, %arg5: memref<512x128xf32, #tpu.memory_space<vmem>>, %arg6: memref<1x8xi32, #tpu.memory_space<vmem>>, %arg7: memref<1x16xi32, #tpu.memory_space<vmem>>, %arg8: memref<1x32xi32, #tpu.memory_space<vmem>>, %arg9: memref<1x32xi32, #tpu.memory_space<vmem>>, %arg10: memref<1x32xi32, #tpu.memory_space<vmem>>, %arg11: memref<1x32xi32, #tpu.memory_space<vmem>>, %arg12: memref<1x32xi32, #tpu.memory_space<vmem>>, %arg13: memref<1x32xi32, #tpu.memory_space<vmem>>, %arg14: memref<1x32xi32, #tpu.memory_space<vmem>>, %arg15: memref<1x1xf32, #tpu.memory_space<vmem>>, %arg16: memref<1x8xf32, #tpu.memory_space<vmem>>, %arg17: memref<1x8xf32, #tpu.memory_space<vmem>>, %arg18: memref<512x512xf32, #tpu.memory_space<vmem>>) attributes {dimension_semantics = [#tpu.dimension_semantics<arbitrary>], iteration_bounds = array<i64: 8>, scalar_prefetch = 0 : i64, scratch_operands = 3 : i64, tpu.core_type = #tpu.core_type<tc>, window_params = [{transform_indices = @transform_0, window_bounds = array<i64: 512, 1024>}, {pipeline_mode = #tpu.pipeline_mode<synchronous>, transform_indices = @transform_1, window_bounds = array<i64: 8, 1024>}, {transform_indices = @transform_2, window_bounds = array<i64: 1, 1, 512>}, {transform_indices = @transform_3, window_bounds = array<i64: 1, 1, 512>}, {transform_indices = @transform_4, window_bounds = array<i64: 512, 128>}, {pipeline_mode = #tpu.pipeline_mode<synchronous>, transform_indices = @transform_5, window_bounds = array<i64: 1, 8>}, {pipeline_mode = #tpu.pipeline_mode<synchronous>, transform_indices = @transform_6, window_bounds = array<i64: 1, 16>}, {pipeline_mode = #tpu.pipeline_mode<synchronous>, transform_indices = @transform_7, window_bounds = array<i64: 1, 32>}, {pipeline_mode = #tpu.pipeline_mode<synchronous>, transform_indices = @transform_8, window_bounds = array<i64: 1, 32>}, {pipeline_mode = #tpu.pipeline_mode<synchronous>, transform_indices = @transform_9, window_bounds = array<i64: 1, 32>}, {pipeline_mode = #tpu.pipeline_mode<synchronous>, transform_indices = @transform_10, window_bounds = array<i64: 1, 32>}, {pipeline_mode = #tpu.pipeline_mode<synchronous>, transform_indices = @transform_11, window_bounds = array<i64: 1, 32>}, {pipeline_mode = #tpu.pipeline_mode<synchronous>, transform_indices = @transform_12, window_bounds = array<i64: 1, 32>}, {pipeline_mode = #tpu.pipeline_mode<synchronous>, transform_indices = @transform_13, window_bounds = array<i64: 1, 32>}, {pipeline_mode = #tpu.pipeline_mode<synchronous>, transform_indices = @transform_14, window_bounds = array<i64: 1, 1>}]} {
    %eq3A = arith.constant 0 : i32
    %eq3A_0 = arith.cmpi eq, %arg0, %eq3A : i32
    %convert_element_type3A = arith.extui %eq3A_0 : i1 to i32
    %cond3A = arith.constant 0 : i32
    %cond3A_1 = arith.cmpi ne, %convert_element_type3A, %cond3A : i32
    scf.if %cond3A_1 {
      %broadcast_in_dim3A_80 = arith.constant 0.000000e+00 : f32
      %broadcast_in_dim3A_81 = vector.broadcast %broadcast_in_dim3A_80 : f32 to vector<1x8xf32>
      %swap3A_82 = arith.constant 0 : index
      %swap3A_83 = arith.constant 0 : index
      %swap3A_84 = vector.load %arg16[%swap3A_82, %swap3A_83] : memref<1x8xf32, #tpu.memory_space<vmem>>, vector<1x8xf32>
      tpu.vector_store %arg16[%swap3A_82, %swap3A_83], %broadcast_in_dim3A_81 {strides = array<i32>} : memref<1x8xf32, #tpu.memory_space<vmem>>, vector<1x8xf32>,
      %broadcast_in_dim3A_85 = arith.constant 0.000000e+00 : f32
      %broadcast_in_dim3A_86 = vector.broadcast %broadcast_in_dim3A_85 : f32 to vector<1x8xf32>
      %swap3A_87 = arith.constant 0 : index
      %swap3A_88 = arith.constant 0 : index
      %swap3A_89 = vector.load %arg17[%swap3A_87, %swap3A_88] : memref<1x8xf32, #tpu.memory_space<vmem>>, vector<1x8xf32>
      tpu.vector_store %arg17[%swap3A_87, %swap3A_88], %broadcast_in_dim3A_86 {strides = array<i32>} : memref<1x8xf32, #tpu.memory_space<vmem>>, vector<1x8xf32>,
      %iota3A_90 = tpu.iota {dimensions = array<i32: 0>} : vector<512x512xi32>
      %iota3A_91 = tpu.iota {dimensions = array<i32: 1>} : vector<512x512xi32>
      %lt3A = arith.cmpi slt, %iota3A_91, %iota3A_90 : vector<512x512xi32>
      %convert_element_type3A_92 = arith.extui %lt3A : vector<512x512xi1> to vector<512x512xi32>
      %convert_element_type3A_93 = arith.sitofp %convert_element_type3A_92 : vector<512x512xi32> to vector<512x512xf32>
      %swap3A_94 = arith.constant 0 : index
      %swap3A_95 = arith.constant 0 : index
      %swap3A_96 = vector.load %arg18[%swap3A_94, %swap3A_95] : memref<512x512xf32, #tpu.memory_space<vmem>>, vector<512x512xf32>
      tpu.vector_store %arg18[%swap3A_94, %swap3A_95], %convert_element_type3A_93 {strides = array<i32>} : memref<512x512xf32, #tpu.memory_space<vmem>>, vector<512x512xf32>,
    } else {
    }
    %get3A = arith.constant 0 : index
    %get3A_2 = arith.constant 0 : index
    %get3A_3 = vector.load %arg1[%get3A, %get3A_2] : memref<512x1024xf32, #tpu.memory_space<vmem>>, vector<512x1024xf32>
    %get3A_4 = arith.constant 0 : index
    %get3A_5 = arith.constant 0 : index
    %get3A_6 = vector.load %arg2[%get3A_4, %get3A_5] : memref<8x1024xf32, #tpu.memory_space<vmem>>, vector<8x1024xf32>
    %dot_general3A = arith.constant dense<0.000000e+00> : vector<512x8xf32>
    %dot_general3A_7 = tpu.matmul %get3A_3, %get3A_6, %dot_general3A {dimension_numbers = #tpu.dot_dimension_numbers<[1], [1], [0], [0], [0, 0, 1, 0], [], []>, transpose_lhs_hint = false} : vector<512x1024xf32>, vector<8x1024xf32>, vector<512x8xf32> -> vector<512x8xf32>
    %reduce_max3A = arith.constant dense<0xFF800000> : vector<512xf32>
    %reduce_max3A_8 = vector.multi_reduction <maximumf>, %dot_general3A_7, %reduce_max3A [1] : vector<512x8xf32> to vector<512xf32>
    %broadcast_in_dim3A = vector.shape_cast %reduce_max3A_8 : vector<512xf32> to vector<512x1xf32>
    %sub3A = vector.broadcast %broadcast_in_dim3A : vector<512x1xf32> to vector<512x8xf32>
    %sub3A_9 = arith.subf %dot_general3A_7, %sub3A : vector<512x8xf32>
    %exp3A = math.exp %sub3A_9 : vector<512x8xf32>
    %reduce_sum3A = arith.constant dense<0.000000e+00> : vector<512xf32>
    %reduce_sum3A_10 = vector.multi_reduction <add>, %exp3A, %reduce_sum3A [1] : vector<512x8xf32> to vector<512xf32>
    %broadcast_in_dim3A_11 = vector.shape_cast %reduce_sum3A_10 : vector<512xf32> to vector<512x1xf32>
    %div3A = vector.broadcast %broadcast_in_dim3A_11 : vector<512x1xf32> to vector<512x8xf32>
    %div3A_12 = arith.divf %exp3A, %div3A : vector<512x8xf32>
    %div3A_13 = arith.constant 1.000000e+00 : f32
    %div3A_14 = vector.broadcast %div3A_13 : f32 to vector<512x1xf32>
    %div3A_15 = arith.divf %div3A_14, %broadcast_in_dim3A_11 : vector<512x1xf32>
    %iota3A = tpu.iota {dimensions = array<i32: 1>} : vector<1x8xi32>
    %ge3A = vector.broadcast %broadcast_in_dim3A : vector<512x1xf32> to vector<512x8xf32>
    %ge3A_16 = arith.cmpf oge, %dot_general3A_7, %ge3A : vector<512x8xf32>
    %jit3A = arith.constant 8 : i32
    %broadcast_in_dim3A_17 = vector.shape_cast %iota3A : vector<1x8xi32> to vector<1x8xi32>
    %broadcast_in_dim3A_18 = vector.broadcast %broadcast_in_dim3A_17 : vector<1x8xi32> to vector<512x8xi32>
    %broadcast_in_dim3A_19 = vector.broadcast %jit3A : i32 to vector<512x8xi32>
    %select_n3A = arith.select %ge3A_16, %broadcast_in_dim3A_18, %broadcast_in_dim3A_19 : vector<512x8xi1>, vector<512x8xi32>
    %reduce_min3A = arith.constant dense<2147483647> : vector<512xi32>
    %reduce_min3A_20 = vector.multi_reduction <minsi>, %select_n3A, %reduce_min3A [1] : vector<512x8xi32> to vector<512xi32>
    %broadcast_in_dim3A_21 = vector.shape_cast %reduce_min3A_20 : vector<512xi32> to vector<512x1xi32>
    %eq3A_22 = vector.broadcast %broadcast_in_dim3A_21 : vector<512x1xi32> to vector<512x8xi32>
    %eq3A_23 = vector.broadcast %iota3A : vector<1x8xi32> to vector<512x8xi32>
    %eq3A_24 = arith.cmpi eq, %eq3A_22, %eq3A_23 : vector<512x8xi32>
    %convert_element_type3A_25 = arith.extui %eq3A_24 : vector<512x8xi1> to vector<512x8xi32>
    %convert_element_type3A_26 = arith.sitofp %convert_element_type3A_25 : vector<512x8xi32> to vector<512x8xf32>
    %get3A_27 = arith.constant 0 : index
    %get3A_28 = arith.constant 0 : index
    %get3A_29 = vector.load %arg18[%get3A_27, %get3A_28] : memref<512x512xf32, #tpu.memory_space<vmem>>, vector<512x512xf32>
    %dot_general3A_30 = arith.constant dense<0.000000e+00> : vector<512x8xf32>
    %dot_general3A_31 = tpu.matmul %get3A_29, %convert_element_type3A_26, %dot_general3A_30 {dimension_numbers = #tpu.dot_dimension_numbers<[1], [0], [0], [1], [0, 0, 1, 1], [], []>, transpose_lhs_hint = false} : vector<512x512xf32>, vector<512x8xf32>, vector<512x8xf32> -> vector<512x8xf32>
    %get3A_32 = arith.constant 0 : index
    %get3A_33 = arith.constant 0 : index
    %get3A_34 = vector.load %arg16[%get3A_32, %get3A_33] : memref<1x8xf32, #tpu.memory_space<vmem>>, vector<1x8xf32>
    %add3A = vector.broadcast %get3A_34 : vector<1x8xf32> to vector<512x8xf32>
    %add3A_35 = arith.addf %add3A, %dot_general3A_31 : vector<512x8xf32>
    %mul3A = arith.mulf %add3A_35, %convert_element_type3A_26 : vector<512x8xf32>
    %reduce_sum3A_36 = arith.constant dense<0.000000e+00> : vector<512xf32>
    %reduce_sum3A_37 = vector.multi_reduction <add>, %mul3A, %reduce_sum3A_36 [1] : vector<512x8xf32> to vector<512xf32>
    %swap3A = arith.constant 0 : index
    %swap3A_38 = arith.constant 0 : index
    %swap3A_39 = arith.constant 0 : index
    %swap3A_40 = vector.load %arg3[%swap3A, %swap3A_38, %swap3A_39] : memref<1x1x512xi32, #tpu.memory_space<vmem>>, vector<1x1x512xi32>
    %swap3A_41 = vector.shape_cast %swap3A_40 : vector<1x1x512xi32> to vector<512xi32>
    %swap3A_42 = vector.shape_cast %reduce_min3A_20 : vector<512xi32> to vector<1x1x512xi32>
    tpu.vector_store %arg3[%swap3A, %swap3A_38, %swap3A_39], %swap3A_42 {strides = array<i32>} : memref<1x1x512xi32, #tpu.memory_space<vmem>>, vector<1x1x512xi32>,
    %convert_element_type3A_43 = arith.fptosi %reduce_sum3A_37 : vector<512xf32> to vector<512xi32>
    %swap3A_44 = arith.constant 0 : index
    %swap3A_45 = arith.constant 0 : index
    %swap3A_46 = arith.constant 0 : index
    %swap3A_47 = vector.load %arg4[%swap3A_44, %swap3A_45, %swap3A_46] : memref<1x1x512xi32, #tpu.memory_space<vmem>>, vector<1x1x512xi32>
    %swap3A_48 = vector.shape_cast %swap3A_47 : vector<1x1x512xi32> to vector<512xi32>
    %swap3A_49 = vector.shape_cast %convert_element_type3A_43 : vector<512xi32> to vector<1x1x512xi32>
    tpu.vector_store %arg4[%swap3A_44, %swap3A_45, %swap3A_46], %swap3A_49 {strides = array<i32>} : memref<1x1x512xi32, #tpu.memory_space<vmem>>, vector<1x1x512xi32>,
    %broadcast_in_dim3A_50 = vector.shape_cast %div3A_15 : vector<512x1xf32> to vector<512x1xf32>
    %broadcast_in_dim3A_51 = vector.broadcast %broadcast_in_dim3A_50 : vector<512x1xf32> to vector<512x128xf32>
    %swap3A_52 = arith.constant 0 : index
    %swap3A_53 = arith.constant 0 : index
    %swap3A_54 = vector.load %arg5[%swap3A_52, %swap3A_53] : memref<512x128xf32, #tpu.memory_space<vmem>>, vector<512x128xf32>
    tpu.vector_store %arg5[%swap3A_52, %swap3A_53], %broadcast_in_dim3A_51 {strides = array<i32>} : memref<512x128xf32, #tpu.memory_space<vmem>>, vector<512x128xf32>,
    %get3A_55 = arith.constant 0 : index
    %get3A_56 = arith.constant 0 : index
    %get3A_57 = vector.load %arg16[%get3A_55, %get3A_56] : memref<1x8xf32, #tpu.memory_space<vmem>>, vector<1x8xf32>
    %reduce_sum3A_58 = arith.constant dense<0.000000e+00> : vector<8xf32>
    %reduce_sum3A_59 = vector.multi_reduction <add>, %convert_element_type3A_26, %reduce_sum3A_58 [0] : vector<512x8xf32> to vector<8xf32>
    %broadcast_in_dim3A_60 = vector.shape_cast %reduce_sum3A_59 : vector<8xf32> to vector<1x8xf32>
    %add3A_61 = arith.addf %get3A_57, %broadcast_in_dim3A_60 : vector<1x8xf32>
    %swap3A_62 = arith.constant 0 : index
    %swap3A_63 = arith.constant 0 : index
    %swap3A_64 = vector.load %arg16[%swap3A_62, %swap3A_63] : memref<1x8xf32, #tpu.memory_space<vmem>>, vector<1x8xf32>
    tpu.vector_store %arg16[%swap3A_62, %swap3A_63], %add3A_61 {strides = array<i32>} : memref<1x8xf32, #tpu.memory_space<vmem>>, vector<1x8xf32>,
    %get3A_65 = arith.constant 0 : index
    %get3A_66 = arith.constant 0 : index
    %get3A_67 = vector.load %arg17[%get3A_65, %get3A_66] : memref<1x8xf32, #tpu.memory_space<vmem>>, vector<1x8xf32>
    %reduce_sum3A_68 = arith.constant dense<0.000000e+00> : vector<8xf32>
    %reduce_sum3A_69 = vector.multi_reduction <add>, %div3A_12, %reduce_sum3A_68 [0] : vector<512x8xf32> to vector<8xf32>
    %broadcast_in_dim3A_70 = vector.shape_cast %reduce_sum3A_69 : vector<8xf32> to vector<1x8xf32>
    %add3A_71 = arith.addf %get3A_67, %broadcast_in_dim3A_70 : vector<1x8xf32>
    %swap3A_72 = arith.constant 0 : index
    %swap3A_73 = arith.constant 0 : index
    %swap3A_74 = vector.load %arg17[%swap3A_72, %swap3A_73] : memref<1x8xf32, #tpu.memory_space<vmem>>, vector<1x8xf32>
    tpu.vector_store %arg17[%swap3A_72, %swap3A_73], %add3A_71 {strides = array<i32>} : memref<1x8xf32, #tpu.memory_space<vmem>>, vector<1x8xf32>,
    %eq3A_75 = arith.constant 7 : i32
    %eq3A_76 = arith.cmpi eq, %arg0, %eq3A_75 : i32
    %convert_element_type3A_77 = arith.extui %eq3A_76 : i1 to i32
    %cond3A_78 = arith.constant 0 : i32
    %cond3A_79 = arith.cmpi ne, %convert_element_type3A_77, %cond3A_78 : i32
    scf.if %cond3A_79 {
      %get3A_80 = arith.constant 0 : index
      %get3A_81 = arith.constant 0 : index
      %get3A_82 = vector.load %arg16[%get3A_80, %get3A_81] : memref<1x8xf32, #tpu.memory_space<vmem>>, vector<1x8xf32>
      %convert_element_type3A_83 = arith.fptosi %get3A_82 : vector<1x8xf32> to vector<1x8xi32>
      %swap3A_84 = arith.constant 0 : index
      %swap3A_85 = arith.constant 0 : index
      %swap3A_86 = vector.load %arg6[%swap3A_84, %swap3A_85] : memref<1x8xi32, #tpu.memory_space<vmem>>, vector<1x8xi32>
      tpu.vector_store %arg6[%swap3A_84, %swap3A_85], %convert_element_type3A_83 {strides = array<i32>} : memref<1x8xi32, #tpu.memory_space<vmem>>, vector<1x8xi32>,
      %add3A_87 = arith.constant 255 : i32
      %add3A_88 = vector.broadcast %add3A_87 : i32 to vector<1x8xi32>
      %add3A_89 = arith.addi %convert_element_type3A_83, %add3A_88 : vector<1x8xi32>
      %jit3A_90 = arith.constant 256 : i32
      %div3A_91 = vector.broadcast %jit3A_90 : i32 to vector<1x8xi32>
      %div3A_92 = arith.divsi %add3A_89, %div3A_91 : vector<1x8xi32>
      %sign3A = arith.constant 0 : i32
      %sign3A_93 = vector.broadcast %sign3A : i32 to vector<1x8xi32>
      %sign3A_94 = arith.cmpi sgt, %add3A_89, %sign3A_93 : vector<1x8xi32>
      %sign3A_95 = arith.extui %sign3A_94 : vector<1x8xi1> to vector<1x8xi32>
      %sign3A_96 = arith.constant 0 : i32
      %sign3A_97 = vector.broadcast %sign3A_96 : i32 to vector<1x8xi32>
      %sign3A_98 = arith.cmpi slt, %add3A_89, %sign3A_97 : vector<1x8xi32>
      %sign3A_99 = arith.extui %sign3A_98 : vector<1x8xi1> to vector<1x8xi32>
      %sign3A_100 = arith.subi %sign3A_95, %sign3A_99 : vector<1x8xi32>
      %sign3A_101 = arith.constant 0 : i32
      %sign3A_102 = arith.cmpi sgt, %jit3A_90, %sign3A_101 : i32
      %sign3A_103 = arith.extui %sign3A_102 : i1 to i32
      %sign3A_104 = arith.constant 0 : i32
      %sign3A_105 = arith.cmpi slt, %jit3A_90, %sign3A_104 : i32
      %sign3A_106 = arith.extui %sign3A_105 : i1 to i32
      %sign3A_107 = arith.subi %sign3A_103, %sign3A_106 : i32
      %ne3A = vector.broadcast %sign3A_107 : i32 to vector<1x8xi32>
      %ne3A_108 = arith.cmpi ne, %sign3A_100, %ne3A : vector<1x8xi32>
      %rem3A = vector.broadcast %jit3A_90 : i32 to vector<1x8xi32>
      %rem3A_109 = arith.remsi %add3A_89, %rem3A : vector<1x8xi32>
      %ne3A_110 = arith.constant 0 : i32
      %ne3A_111 = vector.broadcast %ne3A_110 : i32 to vector<1x8xi32>
      %ne3A_112 = arith.cmpi ne, %rem3A_109, %ne3A_111 : vector<1x8xi32>
      %and3A = arith.andi %ne3A_108, %ne3A_112 : vector<1x8xi1>
      %sub3A_113 = arith.constant 1 : i32
      %sub3A_114 = vector.broadcast %sub3A_113 : i32 to vector<1x8xi32>
      %sub3A_115 = arith.subi %div3A_92, %sub3A_114 : vector<1x8xi32>
      %select_n3A_116 = arith.select %and3A, %sub3A_115, %div3A_92 : vector<1x8xi1>, vector<1x8xi32>
      %iota3A_117 = tpu.iota {dimensions = array<i32: 0>} : vector<8x8xi32>
      %iota3A_118 = tpu.iota {dimensions = array<i32: 1>} : vector<8x8xi32>
      %lt3A = arith.cmpi slt, %iota3A_117, %iota3A_118 : vector<8x8xi32>
      %convert_element_type3A_119 = arith.extui %lt3A : vector<8x8xi1> to vector<8x8xi32>
      %convert_element_type3A_120 = arith.sitofp %convert_element_type3A_119 : vector<8x8xi32> to vector<8x8xf32>
      %convert_element_type3A_121 = arith.sitofp %select_n3A_116 : vector<1x8xi32> to vector<1x8xf32>
      %dot_general3A_122 = arith.constant dense<0.000000e+00> : vector<1x8xf32>
      %dot_general3A_123 = tpu.matmul %convert_element_type3A_121, %convert_element_type3A_120, %dot_general3A_122 {dimension_numbers = #tpu.dot_dimension_numbers<[1], [0], [0], [1], [0, 0, 1, 1], [], []>, transpose_lhs_hint = false} : vector<1x8xf32>, vector<8x8xf32>, vector<1x8xf32> -> vector<1x8xf32>
      %convert_element_type3A_124 = arith.fptosi %dot_general3A_123 : vector<1x8xf32> to vector<1x8xi32>
      %add3A_125 = arith.addi %convert_element_type3A_124, %select_n3A_116 : vector<1x8xi32>
      %mul3A_126 = arith.constant 256 : i32
      %mul3A_127 = vector.broadcast %mul3A_126 : i32 to vector<1x8xi32>
      %mul3A_128 = arith.muli %convert_element_type3A_124, %mul3A_127 : vector<1x8xi32>
      %broadcast_in_dim3A_129 = arith.constant 0 : i32
      %broadcast_in_dim3A_130 = vector.broadcast %broadcast_in_dim3A_129 : i32 to vector<1x8xi32>
      %concatenate3A = tpu.concatenate %mul3A_128, %broadcast_in_dim3A_130 in 1 : vector<1x8xi32>, vector<1x8xi32> -> vector<1x16xi32>
      %swap3A_131 = arith.constant 0 : index
      %swap3A_132 = arith.constant 0 : index
      %swap3A_133 = vector.load %arg7[%swap3A_131, %swap3A_132] : memref<1x16xi32, #tpu.memory_space<vmem>>, vector<1x16xi32>
      tpu.vector_store %arg7[%swap3A_131, %swap3A_132], %concatenate3A {strides = array<i32>} : memref<1x16xi32, #tpu.memory_space<vmem>>, vector<1x16xi32>,
      %reduce_sum3A_134 = vector.shape_cast %select_n3A_116 : vector<1x8xi32> to vector<1x1x8xi32>
      %reduce_sum3A_135 = arith.constant dense<0> : vector<1xi32>
      %reduce_sum3A_136 = vector.multi_reduction <add>, %reduce_sum3A_134, %reduce_sum3A_135 [1, 2] : vector<1x1x8xi32> to vector<1xi32>
      %reduce_sum3A_137 = vector.shape_cast %reduce_sum3A_136 : vector<1xi32> to vector<1x1x1xi32>
      %reduce_sum3A_138 = vector.extract %reduce_sum3A_137[0, 0, 0] : i32 from vector<1x1x1xi32>
      %iota3A_139 = tpu.iota {dimensions = array<i32: 0>} : vector<32x1xi32>
      %ge3A_140 = vector.broadcast %iota3A_139 : vector<32x1xi32> to vector<32x8xi32>
      %ge3A_141 = vector.broadcast %convert_element_type3A_124 : vector<1x8xi32> to vector<32x8xi32>
      %ge3A_142 = arith.cmpi sge, %ge3A_140, %ge3A_141 : vector<32x8xi32>
      %lt3A_143 = vector.broadcast %iota3A_139 : vector<32x1xi32> to vector<32x8xi32>
      %lt3A_144 = vector.broadcast %add3A_125 : vector<1x8xi32> to vector<32x8xi32>
      %lt3A_145 = arith.cmpi slt, %lt3A_143, %lt3A_144 : vector<32x8xi32>
      %and3A_146 = arith.andi %ge3A_142, %lt3A_145 : vector<32x8xi1>
      %jit3A_147 = arith.constant 0 : i32
      %broadcast_in_dim3A_148 = vector.shape_cast %iota3A : vector<1x8xi32> to vector<1x8xi32>
      %broadcast_in_dim3A_149 = vector.broadcast %broadcast_in_dim3A_148 : vector<1x8xi32> to vector<32x8xi32>
      %broadcast_in_dim3A_150 = vector.broadcast %jit3A_147 : i32 to vector<32x8xi32>
      %select_n3A_151 = arith.select %and3A_146, %broadcast_in_dim3A_149, %broadcast_in_dim3A_150 : vector<32x8xi1>, vector<32x8xi32>
      %reduce_sum3A_152 = arith.constant dense<0> : vector<32xi32>
      %reduce_sum3A_153 = vector.multi_reduction <add>, %select_n3A_151, %reduce_sum3A_152 [1] : vector<32x8xi32> to vector<32xi32>
      %squeeze3A = vector.shape_cast %iota3A_139 : vector<32x1xi32> to vector<32xi32>
      %lt3A_154 = vector.broadcast %reduce_sum3A_138 : i32 to vector<32xi32>
      %lt3A_155 = arith.cmpi slt, %squeeze3A, %lt3A_154 : vector<32xi32>
      %convert_element_type3A_156 = arith.extui %lt3A_155 : vector<32xi1> to vector<32xi32>
      %mul3A_157 = arith.muli %reduce_sum3A_153, %convert_element_type3A_156 : vector<32xi32>
      %reduce_max3A_158 = vector.shape_cast %mul3A_157 : vector<32xi32> to vector<1x32xi32>
      %reduce_max3A_159 = arith.constant dense<-2147483648> : vector<1xi32>
      %reduce_max3A_160 = vector.multi_reduction <maxsi>, %reduce_max3A_158, %reduce_max3A_159 [1] : vector<1x32xi32> to vector<1xi32>
      %reduce_max3A_161 = vector.shape_cast %reduce_max3A_160 : vector<1xi32> to vector<1x1xi32>
      %reduce_max3A_162 = vector.extract %reduce_max3A_161[0, 0] : i32 from vector<1x1xi32>
      %eq3A_163 = arith.constant 1 : i32
      %eq3A_164 = vector.broadcast %eq3A_163 : i32 to vector<32xi32>
      %eq3A_165 = arith.cmpi eq, %convert_element_type3A_156, %eq3A_164 : vector<32xi32>
      %broadcast_in_dim3A_166 = vector.broadcast %reduce_max3A_162 : i32 to vector<32xi32>
      %select_n3A_167 = arith.select %eq3A_165, %reduce_sum3A_153, %broadcast_in_dim3A_166 : vector<32xi1>, vector<32xi32>
      %broadcast_in_dim3A_168 = vector.shape_cast %select_n3A_167 : vector<32xi32> to vector<1x32xi32>
      %swap3A_169 = arith.constant 0 : index
      %swap3A_170 = arith.constant 0 : index
      %swap3A_171 = vector.load %arg8[%swap3A_169, %swap3A_170] : memref<1x32xi32, #tpu.memory_space<vmem>>, vector<1x32xi32>
      tpu.vector_store %arg8[%swap3A_169, %swap3A_170], %broadcast_in_dim3A_168 {strides = array<i32>} : memref<1x32xi32, #tpu.memory_space<vmem>>, vector<1x32xi32>,
      %squeeze3A_172 = vector.shape_cast %iota3A_139 : vector<32x1xi32> to vector<32xi32>
      %sub3A_173 = arith.constant 1 : i32
      %sub3A_174 = arith.subi %reduce_sum3A_138, %sub3A_173 : i32
      %min3A = vector.broadcast %sub3A_174 : i32 to vector<32xi32>
      %min3A_175 = arith.minsi %squeeze3A_172, %min3A : vector<32xi32>
      %broadcast_in_dim3A_176 = vector.shape_cast %min3A_175 : vector<32xi32> to vector<1x32xi32>
      %swap3A_177 = arith.constant 0 : index
      %swap3A_178 = arith.constant 0 : index
      %swap3A_179 = vector.load %arg9[%swap3A_177, %swap3A_178] : memref<1x32xi32, #tpu.memory_space<vmem>>, vector<1x32xi32>
      tpu.vector_store %arg9[%swap3A_177, %swap3A_178], %broadcast_in_dim3A_176 {strides = array<i32>} : memref<1x32xi32, #tpu.memory_space<vmem>>, vector<1x32xi32>,
      %broadcast_in_dim3A_180 = vector.shape_cast %convert_element_type3A_156 : vector<32xi32> to vector<1x32xi32>
      %swap3A_181 = arith.constant 0 : index
      %swap3A_182 = arith.constant 0 : index
      %swap3A_183 = vector.load %arg10[%swap3A_181, %swap3A_182] : memref<1x32xi32, #tpu.memory_space<vmem>>, vector<1x32xi32>
      tpu.vector_store %arg10[%swap3A_181, %swap3A_182], %broadcast_in_dim3A_180 {strides = array<i32>} : memref<1x32xi32, #tpu.memory_space<vmem>>, vector<1x32xi32>,
      %gt3A = arith.constant 0 : i32
      %gt3A_184 = vector.broadcast %gt3A : i32 to vector<1x8xi32>
      %gt3A_185 = arith.cmpi sgt, %select_n3A_116, %gt3A_184 : vector<1x8xi32>
      %convert_element_type3A_186 = arith.extui %gt3A_185 : vector<1x8xi1> to vector<1x8xi32>
      %convert_element_type3A_187 = arith.sitofp %convert_element_type3A_186 : vector<1x8xi32> to vector<1x8xf32>
      %dot_general3A_188 = arith.constant dense<0.000000e+00> : vector<1x8xf32>
      %dot_general3A_189 = tpu.matmul %convert_element_type3A_187, %convert_element_type3A_120, %dot_general3A_188 {dimension_numbers = #tpu.dot_dimension_numbers<[1], [0], [0], [1], [0, 0, 1, 1], [], []>, transpose_lhs_hint = false} : vector<1x8xf32>, vector<8x8xf32>, vector<1x8xf32> -> vector<1x8xf32>
      %convert_element_type3A_190 = arith.fptosi %dot_general3A_189 : vector<1x8xf32> to vector<1x8xi32>
      %convert_element_type3A_191 = arith.extui %gt3A_185 : vector<1x8xi1> to vector<1x8xi32>
      %reduce_sum3A_192 = vector.shape_cast %convert_element_type3A_191 : vector<1x8xi32> to vector<1x1x8xi32>
      %reduce_sum3A_193 = arith.constant dense<0> : vector<1xi32>
      %reduce_sum3A_194 = vector.multi_reduction <add>, %reduce_sum3A_192, %reduce_sum3A_193 [1, 2] : vector<1x1x8xi32> to vector<1xi32>
      %reduce_sum3A_195 = vector.shape_cast %reduce_sum3A_194 : vector<1xi32> to vector<1x1x1xi32>
      %reduce_sum3A_196 = vector.extract %reduce_sum3A_195[0, 0, 0] : i32 from vector<1x1x1xi32>
      %eq3A_197 = vector.broadcast %iota3A_139 : vector<32x1xi32> to vector<32x8xi32>
      %eq3A_198 = vector.broadcast %convert_element_type3A_190 : vector<1x8xi32> to vector<32x8xi32>
      %eq3A_199 = arith.cmpi eq, %eq3A_197, %eq3A_198 : vector<32x8xi32>
      %and3A_200 = vector.broadcast %gt3A_185 : vector<1x8xi1> to vector<32x8xi1>
      %and3A_201 = arith.andi %eq3A_199, %and3A_200 : vector<32x8xi1>
      %jit3A_202 = arith.constant 0 : i32
      %broadcast_in_dim3A_203 = vector.shape_cast %iota3A : vector<1x8xi32> to vector<1x8xi32>
      %broadcast_in_dim3A_204 = vector.broadcast %broadcast_in_dim3A_203 : vector<1x8xi32> to vector<32x8xi32>
      %broadcast_in_dim3A_205 = vector.broadcast %jit3A_202 : i32 to vector<32x8xi32>
      %select_n3A_206 = arith.select %and3A_201, %broadcast_in_dim3A_204, %broadcast_in_dim3A_205 : vector<32x8xi1>, vector<32x8xi32>
      %reduce_sum3A_207 = arith.constant dense<0> : vector<32xi32>
      %reduce_sum3A_208 = vector.multi_reduction <add>, %select_n3A_206, %reduce_sum3A_207 [1] : vector<32x8xi32> to vector<32xi32>
      %squeeze3A_209 = vector.shape_cast %iota3A_139 : vector<32x1xi32> to vector<32xi32>
      %lt3A_210 = vector.broadcast %reduce_sum3A_196 : i32 to vector<32xi32>
      %lt3A_211 = arith.cmpi slt, %squeeze3A_209, %lt3A_210 : vector<32xi32>
      %broadcast_in_dim3A_212 = vector.broadcast %reduce_max3A_162 : i32 to vector<32xi32>
      %select_n3A_213 = arith.select %lt3A_211, %reduce_sum3A_208, %broadcast_in_dim3A_212 : vector<32xi1>, vector<32xi32>
      %broadcast_in_dim3A_214 = vector.shape_cast %select_n3A_213 : vector<32xi32> to vector<1x32xi32>
      %swap3A_215 = arith.constant 0 : index
      %swap3A_216 = arith.constant 0 : index
      %swap3A_217 = vector.load %arg13[%swap3A_215, %swap3A_216] : memref<1x32xi32, #tpu.memory_space<vmem>>, vector<1x32xi32>
      tpu.vector_store %arg13[%swap3A_215, %swap3A_216], %broadcast_in_dim3A_214 {strides = array<i32>} : memref<1x32xi32, #tpu.memory_space<vmem>>, vector<1x32xi32>,
      %squeeze3A_218 = vector.shape_cast %iota3A_139 : vector<32x1xi32> to vector<32xi32>
      %lt3A_219 = vector.broadcast %reduce_sum3A_196 : i32 to vector<32xi32>
      %lt3A_220 = arith.cmpi slt, %squeeze3A_218, %lt3A_219 : vector<32xi32>
      %convert_element_type3A_221 = arith.extui %lt3A_220 : vector<32xi1> to vector<32xi32>
      %broadcast_in_dim3A_222 = vector.shape_cast %convert_element_type3A_221 : vector<32xi32> to vector<1x32xi32>
      %swap3A_223 = arith.constant 0 : index
      %swap3A_224 = arith.constant 0 : index
      %swap3A_225 = vector.load %arg14[%swap3A_223, %swap3A_224] : memref<1x32xi32, #tpu.memory_space<vmem>>, vector<1x32xi32>
      tpu.vector_store %arg14[%swap3A_223, %swap3A_224], %broadcast_in_dim3A_222 {strides = array<i32>} : memref<1x32xi32, #tpu.memory_space<vmem>>, vector<1x32xi32>,
      %broadcast_in_dim3A_226 = vector.shape_cast %convert_element_type3A_190 : vector<1x8xi32> to vector<1x8xi32>
      %broadcast_in_dim3A_227 = vector.broadcast %broadcast_in_dim3A_226 : vector<1x8xi32> to vector<32x8xi32>
      %jit3A_228 = arith.constant 0 : i32
      %broadcast_in_dim3A_229 = vector.broadcast %jit3A_228 : i32 to vector<32x8xi32>
      %select_n3A_230 = arith.select %and3A_146, %broadcast_in_dim3A_227, %broadcast_in_dim3A_229 : vector<32x8xi1>, vector<32x8xi32>
      %reduce_sum3A_231 = arith.constant dense<0> : vector<32xi32>
      %reduce_sum3A_232 = vector.multi_reduction <add>, %select_n3A_230, %reduce_sum3A_231 [1] : vector<32x8xi32> to vector<32xi32>
      %broadcast_in_dim3A_233 = vector.shape_cast %reduce_sum3A_232 : vector<32xi32> to vector<1x32xi32>
      %swap3A_234 = arith.constant 0 : index
      %swap3A_235 = arith.constant 0 : index
      %swap3A_236 = vector.load %arg11[%swap3A_234, %swap3A_235] : memref<1x32xi32, #tpu.memory_space<vmem>>, vector<1x32xi32>
      tpu.vector_store %arg11[%swap3A_234, %swap3A_235], %broadcast_in_dim3A_233 {strides = array<i32>} : memref<1x32xi32, #tpu.memory_space<vmem>>, vector<1x32xi32>,
      %eq3A_237 = vector.broadcast %iota3A_139 : vector<32x1xi32> to vector<32x8xi32>
      %eq3A_238 = vector.broadcast %convert_element_type3A_124 : vector<1x8xi32> to vector<32x8xi32>
      %eq3A_239 = arith.cmpi eq, %eq3A_237, %eq3A_238 : vector<32x8xi32>
      %and3A_240 = vector.broadcast %gt3A_185 : vector<1x8xi1> to vector<32x8xi1>
      %and3A_241 = arith.andi %eq3A_239, %and3A_240 : vector<32x8xi1>
      %convert_element_type3A_242 = arith.extui %and3A_241 : vector<32x8xi1> to vector<32x8xi32>
      %reduce_max3A_243 = arith.constant dense<-2147483648> : vector<32xi32>
      %reduce_max3A_244 = vector.multi_reduction <maxsi>, %convert_element_type3A_242, %reduce_max3A_243 [1] : vector<32x8xi32> to vector<32xi32>
      %broadcast_in_dim3A_245 = vector.shape_cast %reduce_max3A_244 : vector<32xi32> to vector<1x32xi32>
      %swap3A_246 = arith.constant 0 : index
      %swap3A_247 = arith.constant 0 : index
      %swap3A_248 = vector.load %arg12[%swap3A_246, %swap3A_247] : memref<1x32xi32, #tpu.memory_space<vmem>>, vector<1x32xi32>
      tpu.vector_store %arg12[%swap3A_246, %swap3A_247], %broadcast_in_dim3A_245 {strides = array<i32>} : memref<1x32xi32, #tpu.memory_space<vmem>>, vector<1x32xi32>,
      %div3A_249 = arith.constant 4.096000e+03 : f32
      %div3A_250 = vector.broadcast %div3A_249 : f32 to vector<1x8xf32>
      %div3A_251 = arith.divf %get3A_82, %div3A_250 : vector<1x8xf32>
      %get3A_252 = arith.constant 0 : index
      %get3A_253 = arith.constant 0 : index
      %get3A_254 = vector.load %arg17[%get3A_252, %get3A_253] : memref<1x8xf32, #tpu.memory_space<vmem>>, vector<1x8xf32>
      %div3A_255 = arith.constant 4.096000e+03 : f32
      %div3A_256 = vector.broadcast %div3A_255 : f32 to vector<1x8xf32>
      %div3A_257 = arith.divf %get3A_254, %div3A_256 : vector<1x8xf32>
      %mul3A_258 = arith.mulf %div3A_257, %div3A_251 : vector<1x8xf32>
      %reduce_sum3A_259 = vector.shape_cast %mul3A_258 : vector<1x8xf32> to vector<1x1x8xf32>
      %reduce_sum3A_260 = arith.constant dense<0.000000e+00> : vector<1xf32>
      %reduce_sum3A_261 = vector.multi_reduction <add>, %reduce_sum3A_259, %reduce_sum3A_260 [1, 2] : vector<1x1x8xf32> to vector<1xf32>
      %reduce_sum3A_262 = vector.shape_cast %reduce_sum3A_261 : vector<1xf32> to vector<1x1x1xf32>
      %reduce_sum3A_263 = vector.extract %reduce_sum3A_262[0, 0, 0] : f32 from vector<1x1x1xf32>
      %broadcast_in_dim3A_264 = vector.broadcast %reduce_sum3A_263 : f32 to vector<1x1xf32>
      %mul3A_265 = arith.constant 8.000000e+00 : f32
      %mul3A_266 = vector.broadcast %mul3A_265 : f32 to vector<1x1xf32>
      %mul3A_267 = arith.mulf %mul3A_266, %broadcast_in_dim3A_264 : vector<1x1xf32>
      %swap3A_268 = arith.constant 0 : index
      %swap3A_269 = arith.constant 0 : index
      %swap3A_270 = vector.load %arg15[%swap3A_268, %swap3A_269] : memref<1x1xf32, #tpu.memory_space<vmem>>, vector<1x1xf32>
      tpu.vector_store %arg15[%swap3A_268, %swap3A_269], %mul3A_267 {strides = array<i32>} : memref<1x1xf32, #tpu.memory_space<vmem>>, vector<1x1xf32>,
    } else {
    }
    return
  }
  func.func @transform_0(%arg0: i32) -> (i32, i32) {
    %c0_i32 = arith.constant 0 : i32
    %c0_i32_0 = arith.constant 0 : i32
    return %arg0, %c0_i32 : i32, i32
  }
  func.func @transform_1(%arg0: i32) -> (i32, i32) {
    %c0_i32 = arith.constant 0 : i32
    %c0_i32_0 = arith.constant 0 : i32
    %c0_i32_1 = arith.constant 0 : i32
    return %c0_i32, %c0_i32_0 : i32, i32
  }
  func.func @transform_2(%arg0: i32) -> (i32, i32, i32) {
    %c0_i32 = arith.constant 0 : i32
    %c0_i32_0 = arith.constant 0 : i32
    %c0_i32_1 = arith.constant 0 : i32
    return %arg0, %c0_i32, %c0_i32_0 : i32, i32, i32
  }
  func.func @transform_3(%arg0: i32) -> (i32, i32, i32) {
    %c0_i32 = arith.constant 0 : i32
    %c0_i32_0 = arith.constant 0 : i32
    %c0_i32_1 = arith.constant 0 : i32
    return %arg0, %c0_i32, %c0_i32_0 : i32, i32, i32
  }
  func.func @transform_4(%arg0: i32) -> (i32, i32) {
    %c0_i32 = arith.constant 0 : i32
    %c0_i32_0 = arith.constant 0 : i32
    return %arg0, %c0_i32 : i32, i32
  }
  func.func @transform_5(%arg0: i32) -> (i32, i32) {
    %c0_i32 = arith.constant 0 : i32
    %c0_i32_0 = arith.constant 0 : i32
    %c0_i32_1 = arith.constant 0 : i32
    return %c0_i32, %c0_i32_0 : i32, i32
  }
  func.func @transform_6(%arg0: i32) -> (i32, i32) {
    %c0_i32 = arith.constant 0 : i32
    %c0_i32_0 = arith.constant 0 : i32
    %c0_i32_1 = arith.constant 0 : i32
    return %c0_i32, %c0_i32_0 : i32, i32
  }
  func.func @transform_7(%arg0: i32) -> (i32, i32) {
    %c0_i32 = arith.constant 0 : i32
    %c0_i32_0 = arith.constant 0 : i32
    %c0_i32_1 = arith.constant 0 : i32
    return %c0_i32, %c0_i32_0 : i32, i32
  }
  func.func @transform_8(%arg0: i32) -> (i32, i32) {
    %c0_i32 = arith.constant 0 : i32
    %c0_i32_0 = arith.constant 0 : i32
    %c0_i32_1 = arith.constant 0 : i32
    return %c0_i32, %c0_i32_0 : i32, i32
  }
  func.func @transform_9(%arg0: i32) -> (i32, i32) {
    %c0_i32 = arith.constant 0 : i32
    %c0_i32_0 = arith.constant 0 : i32
    %c0_i32_1 = arith.constant 0 : i32
    return %c0_i32, %c0_i32_0 : i32, i32
  }
  func.func @transform_10(%arg0: i32) -> (i32, i32) {
    %c0_i32 = arith.constant 0 : i32
    %c0_i32_0 = arith.constant 0 : i32
    %c0_i32_1 = arith.constant 0 : i32
    return %c0_i32, %c0_i32_0 : i32, i32
  }
  func.func @transform_11(%arg0: i32) -> (i32, i32) {
    %c0_i32 = arith.constant 0 : i32
    %c0_i32_0 = arith.constant 0 : i32
    %c0_i32_1 = arith.constant 0 : i32
    return %c0_i32, %c0_i32_0 : i32, i32
  }
  func.func @transform_12(%arg0: i32) -> (i32, i32) {
    %c0_i32 = arith.constant 0 : i32
    %c0_i32_0 = arith.constant 0 : i32
    %c0_i32_1 = arith.constant 0 : i32
    return %c0_i32, %c0_i32_0 : i32, i32
  }
  func.func @transform_13(%arg0: i32) -> (i32, i32) {
    %c0_i32 = arith.constant 0 : i32
    %c0_i32_0 = arith.constant 0 : i32
    %c0_i32_1 = arith.constant 0 : i32
    return %c0_i32, %c0_i32_0 : i32, i32
  }
  func.func @transform_14(%arg0: i32) -> (i32, i32) {
    %c0_i32 = arith.constant 0 : i32
    %c0_i32_0 = arith.constant 0 : i32
    %c0_i32_1 = arith.constant 0 : i32
    return %c0_i32, %c0_i32_0 : i32, i32
  }
}

module attributes {stable_mosaic.version = 14 : i64} {
  func.func @_ffn_body(%arg0: i32, %arg1: memref<32xi32, #tpu.memory_space<smem>>, %arg2: memref<32xi32, #tpu.memory_space<smem>>, %arg3: memref<32xi32, #tpu.memory_space<smem>>, %arg4: memref<32xi32, #tpu.memory_space<smem>>, %arg5: memref<32xi32, #tpu.memory_space<smem>>, %arg6: memref<32xi32, #tpu.memory_space<smem>>, %arg7: memref<32xi32, #tpu.memory_space<smem>>, %arg8: memref<256x1024xf32, #tpu.memory_space<vmem>>, %arg9: memref<8x1024x2048xf32, #tpu.memory_space<any>>, %arg10: memref<1x1x2048xf32, #tpu.memory_space<vmem>>, %arg11: memref<8x2048x1024xf32, #tpu.memory_space<any>>, %arg12: memref<1x1x1024xf32, #tpu.memory_space<vmem>>, %arg13: memref<256x128xf32, #tpu.memory_space<vmem>>, %arg14: memref<256x1024xf32, #tpu.memory_space<vmem>>, %arg15: memref<2x1024x2048xf32, #tpu.memory_space<vmem>>, %arg16: memref<2x2048x1024xf32, #tpu.memory_space<vmem>>, %arg17: memref<2x!tpu.dma_semaphore, #tpu.memory_space<semaphore_mem>>, %arg18: memref<2x!tpu.dma_semaphore, #tpu.memory_space<semaphore_mem>>) attributes {dimension_semantics = [#tpu.dimension_semantics<arbitrary>], iteration_bounds = array<i64: 24>, scalar_prefetch = 7 : i64, scratch_operands = 4 : i64, tpu.core_type = #tpu.core_type<tc>, window_params = [{transform_indices = @transform_0, window_bounds = array<i64: 256, 1024>}, {}, {transform_indices = @transform_2, window_bounds = array<i64: 1, 1, 2048>}, {}, {transform_indices = @transform_4, window_bounds = array<i64: 1, 1, 1024>}, {transform_indices = @transform_5, window_bounds = array<i64: 256, 128>}, {transform_indices = @transform_6, window_bounds = array<i64: 256, 1024>}]} {
    %get3A = arith.index_cast %arg0 : i32 to index
    %get3A_0 = memref.load %arg4[%get3A] : memref<32xi32, #tpu.memory_space<smem>>
    %rem3A = arith.constant 2 : i32
    %rem3A_1 = arith.remsi %get3A_0, %rem3A : i32
    %eq3A = arith.constant 0 : i32
    %eq3A_2 = arith.cmpi eq, %arg0, %eq3A : i32
    %convert_element_type3A = arith.extui %eq3A_2 : i1 to i32
    %cond3A = arith.constant 0 : i32
    %cond3A_3 = arith.cmpi ne, %convert_element_type3A, %cond3A : i32
    scf.if %cond3A_3 {
      %get3A_17 = arith.constant 0 : index
      %get3A_18 = memref.load %arg6[%get3A_17] : memref<32xi32, #tpu.memory_space<smem>>
      %dma_start3A = arith.constant 0 : i32
      %dma_start3A_19 = arith.constant 0 : i32
      %dma_start3A_20 = tpu.memref_slice %arg17[%dma_start3A_19] : memref<2x!tpu.dma_semaphore, #tpu.memory_space<semaphore_mem>> -> memref<1x!tpu.dma_semaphore, #tpu.memory_space<semaphore_mem>>
      %dma_start3A_21 = tpu.memref_squeeze %dma_start3A_20 : memref<1x!tpu.dma_semaphore, #tpu.memory_space<semaphore_mem>> -> memref<!tpu.dma_semaphore, #tpu.memory_space<semaphore_mem>>
      %dma_start3A_22 = arith.constant 0 : i32
      %dma_start3A_23 = arith.constant 0 : i32
      %dma_start3A_24 = tpu.memref_slice %arg15[%dma_start3A, %dma_start3A_22, %dma_start3A_23] : memref<2x1024x2048xf32, #tpu.memory_space<vmem>> -> memref<1x1024x2048xf32, #tpu.memory_space<vmem>>
      %dma_start3A_25 = tpu.memref_squeeze %dma_start3A_24 : memref<1x1024x2048xf32, #tpu.memory_space<vmem>> -> memref<1024x2048xf32, #tpu.memory_space<vmem>>
      %dma_start3A_26 = arith.constant 0 : i32
      %dma_start3A_27 = arith.constant 0 : i32
      %dma_start3A_28 = tpu.memref_slice %arg9[%get3A_18, %dma_start3A_26, %dma_start3A_27] : memref<8x1024x2048xf32, #tpu.memory_space<any>> -> memref<1x1024x2048xf32, #tpu.memory_space<any>>
      %dma_start3A_29 = tpu.memref_squeeze %dma_start3A_28 : memref<1x1024x2048xf32, #tpu.memory_space<any>> -> memref<1024x2048xf32, #tpu.memory_space<any>>
      tpu.enqueue_dma source(%dma_start3A_29 : memref<1024x2048xf32, #tpu.memory_space<any>>) target(%dma_start3A_25 : memref<1024x2048xf32, #tpu.memory_space<vmem>>) target_semaphore(%dma_start3A_21 : memref<!tpu.dma_semaphore, #tpu.memory_space<semaphore_mem>>)
      %dma_start3A_30 = arith.constant 0 : i32
      %dma_start3A_31 = arith.constant 0 : i32
      %dma_start3A_32 = tpu.memref_slice %arg18[%dma_start3A_31] : memref<2x!tpu.dma_semaphore, #tpu.memory_space<semaphore_mem>> -> memref<1x!tpu.dma_semaphore, #tpu.memory_space<semaphore_mem>>
      %dma_start3A_33 = tpu.memref_squeeze %dma_start3A_32 : memref<1x!tpu.dma_semaphore, #tpu.memory_space<semaphore_mem>> -> memref<!tpu.dma_semaphore, #tpu.memory_space<semaphore_mem>>
      %dma_start3A_34 = arith.constant 0 : i32
      %dma_start3A_35 = arith.constant 0 : i32
      %dma_start3A_36 = tpu.memref_slice %arg16[%dma_start3A_30, %dma_start3A_34, %dma_start3A_35] : memref<2x2048x1024xf32, #tpu.memory_space<vmem>> -> memref<1x2048x1024xf32, #tpu.memory_space<vmem>>
      %dma_start3A_37 = tpu.memref_squeeze %dma_start3A_36 : memref<1x2048x1024xf32, #tpu.memory_space<vmem>> -> memref<2048x1024xf32, #tpu.memory_space<vmem>>
      %dma_start3A_38 = arith.constant 0 : i32
      %dma_start3A_39 = arith.constant 0 : i32
      %dma_start3A_40 = tpu.memref_slice %arg11[%get3A_18, %dma_start3A_38, %dma_start3A_39] : memref<8x2048x1024xf32, #tpu.memory_space<any>> -> memref<1x2048x1024xf32, #tpu.memory_space<any>>
      %dma_start3A_41 = tpu.memref_squeeze %dma_start3A_40 : memref<1x2048x1024xf32, #tpu.memory_space<any>> -> memref<2048x1024xf32, #tpu.memory_space<any>>
      tpu.enqueue_dma source(%dma_start3A_41 : memref<2048x1024xf32, #tpu.memory_space<any>>) target(%dma_start3A_37 : memref<2048x1024xf32, #tpu.memory_space<vmem>>) target_semaphore(%dma_start3A_33 : memref<!tpu.dma_semaphore, #tpu.memory_space<semaphore_mem>>)
    } else {
    }
    %get3A_4 = arith.index_cast %arg0 : i32 to index
    %get3A_5 = memref.load %arg5[%get3A_4] : memref<32xi32, #tpu.memory_space<smem>>
    %eq3A_6 = arith.constant 1 : i32
    %eq3A_7 = arith.cmpi eq, %get3A_5, %eq3A_6 : i32
    %convert_element_type3A_8 = arith.extui %eq3A_7 : i1 to i32
    %cond3A_9 = arith.constant 0 : i32
    %cond3A_10 = arith.cmpi ne, %convert_element_type3A_8, %cond3A_9 : i32
    scf.if %cond3A_10 {
      %get3A_17 = arith.index_cast %get3A_0 : i32 to index
      %get3A_18 = memref.load %arg6[%get3A_17] : memref<32xi32, #tpu.memory_space<smem>>
      %dma_wait3A = tpu.memref_slice %arg17[%rem3A_1] : memref<2x!tpu.dma_semaphore, #tpu.memory_space<semaphore_mem>> -> memref<1x!tpu.dma_semaphore, #tpu.memory_space<semaphore_mem>>
      %dma_wait3A_19 = tpu.memref_squeeze %dma_wait3A : memref<1x!tpu.dma_semaphore, #tpu.memory_space<semaphore_mem>> -> memref<!tpu.dma_semaphore, #tpu.memory_space<semaphore_mem>>
      %dma_wait3A_20 = arith.constant 0 : i32
      %dma_wait3A_21 = arith.constant 0 : i32
      %dma_wait3A_22 = tpu.memref_slice %arg15[%rem3A_1, %dma_wait3A_20, %dma_wait3A_21] : memref<2x1024x2048xf32, #tpu.memory_space<vmem>> -> memref<1x1024x2048xf32, #tpu.memory_space<vmem>>
      %dma_wait3A_23 = tpu.memref_squeeze %dma_wait3A_22 : memref<1x1024x2048xf32, #tpu.memory_space<vmem>> -> memref<1024x2048xf32, #tpu.memory_space<vmem>>
      %dma_wait3A_24 = arith.constant 0 : i32
      %dma_wait3A_25 = arith.constant 0 : i32
      %dma_wait3A_26 = tpu.memref_slice %arg9[%get3A_18, %dma_wait3A_24, %dma_wait3A_25] : memref<8x1024x2048xf32, #tpu.memory_space<any>> -> memref<1x1024x2048xf32, #tpu.memory_space<any>>
      %dma_wait3A_27 = tpu.memref_squeeze %dma_wait3A_26 : memref<1x1024x2048xf32, #tpu.memory_space<any>> -> memref<1024x2048xf32, #tpu.memory_space<any>>
      tpu.wait_dma2 semaphore(%dma_wait3A_19 : memref<!tpu.dma_semaphore, #tpu.memory_space<semaphore_mem>>) src(%dma_wait3A_27 : memref<1024x2048xf32, #tpu.memory_space<any>>) dst(%dma_wait3A_23 : memref<1024x2048xf32, #tpu.memory_space<vmem>>)
      %dma_wait3A_28 = tpu.memref_slice %arg18[%rem3A_1] : memref<2x!tpu.dma_semaphore, #tpu.memory_space<semaphore_mem>> -> memref<1x!tpu.dma_semaphore, #tpu.memory_space<semaphore_mem>>
      %dma_wait3A_29 = tpu.memref_squeeze %dma_wait3A_28 : memref<1x!tpu.dma_semaphore, #tpu.memory_space<semaphore_mem>> -> memref<!tpu.dma_semaphore, #tpu.memory_space<semaphore_mem>>
      %dma_wait3A_30 = arith.constant 0 : i32
      %dma_wait3A_31 = arith.constant 0 : i32
      %dma_wait3A_32 = tpu.memref_slice %arg16[%rem3A_1, %dma_wait3A_30, %dma_wait3A_31] : memref<2x2048x1024xf32, #tpu.memory_space<vmem>> -> memref<1x2048x1024xf32, #tpu.memory_space<vmem>>
      %dma_wait3A_33 = tpu.memref_squeeze %dma_wait3A_32 : memref<1x2048x1024xf32, #tpu.memory_space<vmem>> -> memref<2048x1024xf32, #tpu.memory_space<vmem>>
      %dma_wait3A_34 = arith.constant 0 : i32
      %dma_wait3A_35 = arith.constant 0 : i32
      %dma_wait3A_36 = tpu.memref_slice %arg11[%get3A_18, %dma_wait3A_34, %dma_wait3A_35] : memref<8x2048x1024xf32, #tpu.memory_space<any>> -> memref<1x2048x1024xf32, #tpu.memory_space<any>>
      %dma_wait3A_37 = tpu.memref_squeeze %dma_wait3A_36 : memref<1x2048x1024xf32, #tpu.memory_space<any>> -> memref<2048x1024xf32, #tpu.memory_space<any>>
      tpu.wait_dma2 semaphore(%dma_wait3A_29 : memref<!tpu.dma_semaphore, #tpu.memory_space<semaphore_mem>>) src(%dma_wait3A_37 : memref<2048x1024xf32, #tpu.memory_space<any>>) dst(%dma_wait3A_33 : memref<2048x1024xf32, #tpu.memory_space<vmem>>)
      %add3A = arith.constant 1 : i32
      %add3A_38 = arith.addi %get3A_0, %add3A : i32
      %get3A_39 = arith.index_cast %add3A_38 : i32 to index
      %get3A_40 = memref.load %arg7[%get3A_39] : memref<32xi32, #tpu.memory_space<smem>>
      %eq3A_41 = arith.constant 1 : i32
      %eq3A_42 = arith.cmpi eq, %get3A_40, %eq3A_41 : i32
      %convert_element_type3A_43 = arith.extui %eq3A_42 : i1 to i32
      %cond3A_44 = arith.constant 0 : i32
      %cond3A_45 = arith.cmpi ne, %convert_element_type3A_43, %cond3A_44 : i32
      scf.if %cond3A_45 {
        %add3A_46 = arith.constant 1 : i32
        %add3A_47 = arith.addi %get3A_0, %add3A_46 : i32
        %get3A_48 = arith.index_cast %add3A_47 : i32 to index
        %get3A_49 = memref.load %arg6[%get3A_48] : memref<32xi32, #tpu.memory_space<smem>>
        %sub3A = arith.constant 1 : i32
        %sub3A_50 = arith.subi %sub3A, %rem3A_1 : i32
        %dma_start3A = tpu.memref_slice %arg17[%sub3A_50] : memref<2x!tpu.dma_semaphore, #tpu.memory_space<semaphore_mem>> -> memref<1x!tpu.dma_semaphore, #tpu.memory_space<semaphore_mem>>
        %dma_start3A_51 = tpu.memref_squeeze %dma_start3A : memref<1x!tpu.dma_semaphore, #tpu.memory_space<semaphore_mem>> -> memref<!tpu.dma_semaphore, #tpu.memory_space<semaphore_mem>>
        %dma_start3A_52 = arith.constant 0 : i32
        %dma_start3A_53 = arith.constant 0 : i32
        %dma_start3A_54 = tpu.memref_slice %arg15[%sub3A_50, %dma_start3A_52, %dma_start3A_53] : memref<2x1024x2048xf32, #tpu.memory_space<vmem>> -> memref<1x1024x2048xf32, #tpu.memory_space<vmem>>
        %dma_start3A_55 = tpu.memref_squeeze %dma_start3A_54 : memref<1x1024x2048xf32, #tpu.memory_space<vmem>> -> memref<1024x2048xf32, #tpu.memory_space<vmem>>
        %dma_start3A_56 = arith.constant 0 : i32
        %dma_start3A_57 = arith.constant 0 : i32
        %dma_start3A_58 = tpu.memref_slice %arg9[%get3A_49, %dma_start3A_56, %dma_start3A_57] : memref<8x1024x2048xf32, #tpu.memory_space<any>> -> memref<1x1024x2048xf32, #tpu.memory_space<any>>
        %dma_start3A_59 = tpu.memref_squeeze %dma_start3A_58 : memref<1x1024x2048xf32, #tpu.memory_space<any>> -> memref<1024x2048xf32, #tpu.memory_space<any>>
        tpu.enqueue_dma source(%dma_start3A_59 : memref<1024x2048xf32, #tpu.memory_space<any>>) target(%dma_start3A_55 : memref<1024x2048xf32, #tpu.memory_space<vmem>>) target_semaphore(%dma_start3A_51 : memref<!tpu.dma_semaphore, #tpu.memory_space<semaphore_mem>>)
        %dma_start3A_60 = tpu.memref_slice %arg18[%sub3A_50] : memref<2x!tpu.dma_semaphore, #tpu.memory_space<semaphore_mem>> -> memref<1x!tpu.dma_semaphore, #tpu.memory_space<semaphore_mem>>
        %dma_start3A_61 = tpu.memref_squeeze %dma_start3A_60 : memref<1x!tpu.dma_semaphore, #tpu.memory_space<semaphore_mem>> -> memref<!tpu.dma_semaphore, #tpu.memory_space<semaphore_mem>>
        %dma_start3A_62 = arith.constant 0 : i32
        %dma_start3A_63 = arith.constant 0 : i32
        %dma_start3A_64 = tpu.memref_slice %arg16[%sub3A_50, %dma_start3A_62, %dma_start3A_63] : memref<2x2048x1024xf32, #tpu.memory_space<vmem>> -> memref<1x2048x1024xf32, #tpu.memory_space<vmem>>
        %dma_start3A_65 = tpu.memref_squeeze %dma_start3A_64 : memref<1x2048x1024xf32, #tpu.memory_space<vmem>> -> memref<2048x1024xf32, #tpu.memory_space<vmem>>
        %dma_start3A_66 = arith.constant 0 : i32
        %dma_start3A_67 = arith.constant 0 : i32
        %dma_start3A_68 = tpu.memref_slice %arg11[%get3A_49, %dma_start3A_66, %dma_start3A_67] : memref<8x2048x1024xf32, #tpu.memory_space<any>> -> memref<1x2048x1024xf32, #tpu.memory_space<any>>
        %dma_start3A_69 = tpu.memref_squeeze %dma_start3A_68 : memref<1x2048x1024xf32, #tpu.memory_space<any>> -> memref<2048x1024xf32, #tpu.memory_space<any>>
        tpu.enqueue_dma source(%dma_start3A_69 : memref<2048x1024xf32, #tpu.memory_space<any>>) target(%dma_start3A_65 : memref<2048x1024xf32, #tpu.memory_space<vmem>>) target_semaphore(%dma_start3A_61 : memref<!tpu.dma_semaphore, #tpu.memory_space<semaphore_mem>>)
      } else {
      }
    } else {
    }
    %get3A_11 = arith.index_cast %arg0 : i32 to index
    %get3A_12 = memref.load %arg3[%get3A_11] : memref<32xi32, #tpu.memory_space<smem>>
    %ne3A = arith.constant 0 : i32
    %ne3A_13 = arith.cmpi ne, %get3A_12, %ne3A : i32
    %convert_element_type3A_14 = arith.extui %ne3A_13 : i1 to i32
    %cond3A_15 = arith.constant 0 : i32
    %cond3A_16 = arith.cmpi ne, %convert_element_type3A_14, %cond3A_15 : i32
    scf.if %cond3A_16 {
      %get3A_17 = arith.constant 0 : index
      %get3A_18 = arith.constant 0 : index
      %get3A_19 = vector.load %arg8[%get3A_17, %get3A_18] : memref<256x1024xf32, #tpu.memory_space<vmem>>, vector<256x1024xf32>
      %convert_element_type3A_20 = arith.truncf %get3A_19 : vector<256x1024xf32> to vector<256x1024xbf16>
      %get3A_21 = arith.index_cast %rem3A_1 : i32 to index
      %get3A_22 = arith.constant 0 : index
      %get3A_23 = arith.constant 0 : index
      %get3A_24 = vector.load %arg15[%get3A_21, %get3A_22, %get3A_23] : memref<2x1024x2048xf32, #tpu.memory_space<vmem>>, vector<1x1024x2048xf32>
      %get3A_25 = vector.shape_cast %get3A_24 : vector<1x1024x2048xf32> to vector<1024x2048xf32>
      %convert_element_type3A_26 = arith.truncf %get3A_25 : vector<1024x2048xf32> to vector<1024x2048xbf16>
      %dot_general3A = arith.constant dense<0.000000e+00> : vector<256x2048xf32>
      %dot_general3A_27 = tpu.matmul %convert_element_type3A_20, %convert_element_type3A_26, %dot_general3A {dimension_numbers = #tpu.dot_dimension_numbers<[1], [0], [0], [1], [0, 0, 1, 1], [], []>, transpose_lhs_hint = false} : vector<256x1024xbf16>, vector<1024x2048xbf16>, vector<256x2048xf32> -> vector<256x2048xf32>
      %get3A_28 = arith.constant 0 : index
      %get3A_29 = arith.constant 0 : index
      %get3A_30 = arith.constant 0 : index
      %get3A_31 = vector.load %arg10[%get3A_28, %get3A_29, %get3A_30] : memref<1x1x2048xf32, #tpu.memory_space<vmem>>, vector<1x1x2048xf32>
      %get3A_32 = vector.shape_cast %get3A_31 : vector<1x1x2048xf32> to vector<1x2048xf32>
      %add3A = vector.broadcast %get3A_32 : vector<1x2048xf32> to vector<256x2048xf32>
      %add3A_33 = arith.addf %dot_general3A_27, %add3A : vector<256x2048xf32>
      %mul3A = arith.constant 5.000000e-01 : f32
      %mul3A_34 = vector.broadcast %mul3A : f32 to vector<256x2048xf32>
      %mul3A_35 = arith.mulf %mul3A_34, %add3A_33 : vector<256x2048xf32>
      %mul3A_36 = arith.constant 0.707106769 : f32
      %mul3A_37 = vector.broadcast %mul3A_36 : f32 to vector<256x2048xf32>
      %mul3A_38 = arith.mulf %add3A_33, %mul3A_37 : vector<256x2048xf32>
      %erf3A = math.erf %mul3A_38 : vector<256x2048xf32>
      %add3A_39 = arith.constant 1.000000e+00 : f32
      %add3A_40 = vector.broadcast %add3A_39 : f32 to vector<256x2048xf32>
      %add3A_41 = arith.addf %add3A_40, %erf3A : vector<256x2048xf32>
      %mul3A_42 = arith.mulf %mul3A_35, %add3A_41 : vector<256x2048xf32>
      %convert_element_type3A_43 = arith.truncf %mul3A_42 : vector<256x2048xf32> to vector<256x2048xbf16>
      %get3A_44 = arith.index_cast %rem3A_1 : i32 to index
      %get3A_45 = arith.constant 0 : index
      %get3A_46 = arith.constant 0 : index
      %get3A_47 = vector.load %arg16[%get3A_44, %get3A_45, %get3A_46] : memref<2x2048x1024xf32, #tpu.memory_space<vmem>>, vector<1x2048x1024xf32>
      %get3A_48 = vector.shape_cast %get3A_47 : vector<1x2048x1024xf32> to vector<2048x1024xf32>
      %convert_element_type3A_49 = arith.truncf %get3A_48 : vector<2048x1024xf32> to vector<2048x1024xbf16>
      %dot_general3A_50 = arith.constant dense<0.000000e+00> : vector<256x1024xf32>
      %dot_general3A_51 = tpu.matmul %convert_element_type3A_43, %convert_element_type3A_49, %dot_general3A_50 {dimension_numbers = #tpu.dot_dimension_numbers<[1], [0], [0], [1], [0, 0, 1, 1], [], []>, transpose_lhs_hint = false} : vector<256x2048xbf16>, vector<2048x1024xbf16>, vector<256x1024xf32> -> vector<256x1024xf32>
      %get3A_52 = arith.constant 0 : index
      %get3A_53 = arith.constant 0 : index
      %get3A_54 = arith.constant 0 : index
      %get3A_55 = vector.load %arg12[%get3A_52, %get3A_53, %get3A_54] : memref<1x1x1024xf32, #tpu.memory_space<vmem>>, vector<1x1x1024xf32>
      %get3A_56 = vector.shape_cast %get3A_55 : vector<1x1x1024xf32> to vector<1x1024xf32>
      %add3A_57 = vector.broadcast %get3A_56 : vector<1x1024xf32> to vector<256x1024xf32>
      %add3A_58 = arith.addf %dot_general3A_51, %add3A_57 : vector<256x1024xf32>
      %get3A_59 = arith.constant 0 : index
      %get3A_60 = arith.constant 0 : index
      %get3A_61 = vector.load %arg13[%get3A_59, %get3A_60] : memref<256x128xf32, #tpu.memory_space<vmem>>, vector<256x1xf32>
      %mul3A_62 = vector.broadcast %get3A_61 : vector<256x1xf32> to vector<256x1024xf32>
      %mul3A_63 = arith.mulf %add3A_58, %mul3A_62 : vector<256x1024xf32>
      %swap3A = arith.constant 0 : index
      %swap3A_64 = arith.constant 0 : index
      %swap3A_65 = vector.load %arg14[%swap3A, %swap3A_64] : memref<256x1024xf32, #tpu.memory_space<vmem>>, vector<256x1024xf32>
      tpu.vector_store %arg14[%swap3A, %swap3A_64], %mul3A_63 {strides = array<i32>} : memref<256x1024xf32, #tpu.memory_space<vmem>>, vector<256x1024xf32>,
    } else {
    }
    return
  }
  func.func @transform_0(%arg0: i32, %arg1: memref<32xi32, #tpu.memory_space<smem>>, %arg2: memref<32xi32, #tpu.memory_space<smem>>, %arg3: memref<32xi32, #tpu.memory_space<smem>>, %arg4: memref<32xi32, #tpu.memory_space<smem>>, %arg5: memref<32xi32, #tpu.memory_space<smem>>, %arg6: memref<32xi32, #tpu.memory_space<smem>>, %arg7: memref<32xi32, #tpu.memory_space<smem>>) -> (i32, i32) {
    %get3A = arith.index_cast %arg0 : i32 to index
    %get3A_0 = memref.load %arg2[%get3A] : memref<32xi32, #tpu.memory_space<smem>>
    %c0_i32 = arith.constant 0 : i32
    %c0_i32_1 = arith.constant 0 : i32
    return %get3A_0, %c0_i32 : i32, i32
  }
  func.func @transform_2(%arg0: i32, %arg1: memref<32xi32, #tpu.memory_space<smem>>, %arg2: memref<32xi32, #tpu.memory_space<smem>>, %arg3: memref<32xi32, #tpu.memory_space<smem>>, %arg4: memref<32xi32, #tpu.memory_space<smem>>, %arg5: memref<32xi32, #tpu.memory_space<smem>>, %arg6: memref<32xi32, #tpu.memory_space<smem>>, %arg7: memref<32xi32, #tpu.memory_space<smem>>) -> (i32, i32, i32) {
    %get3A = arith.index_cast %arg0 : i32 to index
    %get3A_0 = memref.load %arg1[%get3A] : memref<32xi32, #tpu.memory_space<smem>>
    %c0_i32 = arith.constant 0 : i32
    %c0_i32_1 = arith.constant 0 : i32
    %c0_i32_2 = arith.constant 0 : i32
    return %get3A_0, %c0_i32, %c0_i32_1 : i32, i32, i32
  }
  func.func @transform_4(%arg0: i32, %arg1: memref<32xi32, #tpu.memory_space<smem>>, %arg2: memref<32xi32, #tpu.memory_space<smem>>, %arg3: memref<32xi32, #tpu.memory_space<smem>>, %arg4: memref<32xi32, #tpu.memory_space<smem>>, %arg5: memref<32xi32, #tpu.memory_space<smem>>, %arg6: memref<32xi32, #tpu.memory_space<smem>>, %arg7: memref<32xi32, #tpu.memory_space<smem>>) -> (i32, i32, i32) {
    %get3A = arith.index_cast %arg0 : i32 to index
    %get3A_0 = memref.load %arg1[%get3A] : memref<32xi32, #tpu.memory_space<smem>>
    %c0_i32 = arith.constant 0 : i32
    %c0_i32_1 = arith.constant 0 : i32
    %c0_i32_2 = arith.constant 0 : i32
    return %get3A_0, %c0_i32, %c0_i32_1 : i32, i32, i32
  }
  func.func @transform_5(%arg0: i32, %arg1: memref<32xi32, #tpu.memory_space<smem>>, %arg2: memref<32xi32, #tpu.memory_space<smem>>, %arg3: memref<32xi32, #tpu.memory_space<smem>>, %arg4: memref<32xi32, #tpu.memory_space<smem>>, %arg5: memref<32xi32, #tpu.memory_space<smem>>, %arg6: memref<32xi32, #tpu.memory_space<smem>>, %arg7: memref<32xi32, #tpu.memory_space<smem>>) -> (i32, i32) {
    %get3A = arith.index_cast %arg0 : i32 to index
    %get3A_0 = memref.load %arg2[%get3A] : memref<32xi32, #tpu.memory_space<smem>>
    %c0_i32 = arith.constant 0 : i32
    %c0_i32_1 = arith.constant 0 : i32
    return %get3A_0, %c0_i32 : i32, i32
  }
  func.func @transform_6(%arg0: i32, %arg1: memref<32xi32, #tpu.memory_space<smem>>, %arg2: memref<32xi32, #tpu.memory_space<smem>>, %arg3: memref<32xi32, #tpu.memory_space<smem>>, %arg4: memref<32xi32, #tpu.memory_space<smem>>, %arg5: memref<32xi32, #tpu.memory_space<smem>>, %arg6: memref<32xi32, #tpu.memory_space<smem>>, %arg7: memref<32xi32, #tpu.memory_space<smem>>) -> (i32, i32) {
    %get3A = arith.index_cast %arg0 : i32 to index
    %get3A_0 = memref.load %arg2[%get3A] : memref<32xi32, #tpu.memory_space<smem>>
    %c0_i32 = arith.constant 0 : i32
    %c0_i32_1 = arith.constant 0 : i32
    return %get3A_0, %c0_i32 : i32, i32
  }
}

</mosaic_0001>

<sc_bundles>
// kernel: kernel.6.cloned.1.call-start
scs
__scs_entry_jumppad:
0x0: {  	(pc) =	sbr.rel $0x88, $3  }
0x1: {  	(tag) =	ssettag $0x0;
	lr =	simm.s32 $0x1  }
0x2: {  	[smem:$0x3F9B] =	sst lr;
	_ =	strace $0xD0000000  }
0x3: {  	_ = 	snop  }
0x4: {  	_ = 	snop  }
0x5: {  	_ = 	snop  }
0x6: {  	_ = 	snop  }
0x7: {  	_ = 	snop  }
__scs_overlays_trampoline_lowered:
0x8: {  	[smem:$0x3FAA] =	sst s0  }
0x9: {  	[smem:$0x3FAB] =	sst s1  }
0xa: {  	[smem:$0x3FAC] =	sst s2  }
0xb: {  	[smem:$0x3FAD] =	sst s3  }
0xc: {  	[smem:$0x3FAE] =	sst s4  }
0xd: {  	[smem:$0x3FAF] =	sst s5  }
0xe: {  	[smem:$0x3FB0] =	sst s6  }
0xf: {  	[smem:$0x3FB1] =	sst s7  }
0x10: {  	[smem:$0x3FB2] =	sst s8  }
0x11: {  	[smem:$0x3FB3] =	sst s9;
	s0 =	simm.s32 @!p0 $0x0  }
0x12: {  	s1 =	sld [smem:$0x3F99];
	s0 =	simm.s32 @p0 $0x1  }
0x13: {  	[smem:$0x3FB4] =	sst s0;
	s0 =	simm.s32 @!p1 $0x0  }
0x14: {  	s2 =	sld [smem:$0x3F98];
	s0 =	simm.s32 @p1 $0x1  }
0x15: {  	[smem:$0x3FB5] =	sst s0;
	s0 =	simm.s32 @!p2 $0x0  }
0x16: {  	s3 =	sld [smem:$0x3FDB];
	s0 =	simm.s32 @p2 $0x1  }
0x17: {  	s4 =	simm.s32 $0x1BF5;
	[smem:$0x3FB7] =	sst s0  }
0x18: {  	s0 =	sld [smem:$0x3F9A];
	_ =	swait.ge [sflag:s4], $0x0  }
0x19: {  	s7 =	sld [smem:$0x3F9B]  }
0x1a: {  	s8 =	sadd.s32 $0xFFFFE003, lr  }
0x1b: {  	s9 =	sadd.s32 $0xFFFFFEF7, lr;
	s5 =	simm.s32 $0xFFFFFFFF;
	p2 =	slt.u32 s8, $0xFFFFF086  }
0x1c: {  	p1 =	slt.u32 s9, $0xF7A;
	s5 =	simm.s32 @!p2 $0x0  }
0x1d: {  	s5 =	simm.s32 @p1 $0x1;
	p0 =	seq.s32 s7, s2  }
0x1e: {  	s7 =	smul.u32 @!p0 $0xF7A, s2;
	p2 =	seq.s32 @!p0 s5, $0x0  }
0x1f: {  	s9 =	smul.u32 $0xF7A, s1;
	s8 =	simm.s32 @!p0 $0x1BF5;
	p2 =	por !p2, p0  }
0x20: {  	[sflag:s8] =	ssyncset.s32 @!p0 $0xFFFFF086;
	s6 =	sadd.s32 @!p0 s3, s7;
	s7 =	simm.s32 @!p0 $0x108  }
0x21: {  	s3 =	sadd.s32 s3, s9;
	s6 =	sadd.s32 @!p0 $0x88, s6;
	s7 =	simm.s32 @p2 $0x1082  }
0x22: {  	[simem:s7], [sflag:s8] =	dma.local @!p0 [hbm:s6], $0xF7A  }
0x23: {  	s9 =	sor.u32 $0xD0000000, s2;
	s6 =	simm.s32 $0x108;
	_ =	swait.ge @!p0 [sflag:s8], $0x0  }
0x24: {  	s3 =	sadd.s32 $0x88, s3;
	s6 =	simm.s32 @!p1 $0x1082;
	[sflag:s4] =	ssyncset.s32 $0xFFFFF086  }
0x25: {  	[simem:s6], [sflag:s4] =	dma.local [hbm:s3], $0xF7A  }
0x26: {  	[smem:$0x3F9B] =	sst s1;
	(tag) =	ssettag s2;
	_ =	strace s9  }
0x27: {  	s1 =	sld [smem:$0x3FAB]  }
0x28: {  	s2 =	sld [smem:$0x3FAC]  }
0x29: {  	s4 =	sld [smem:$0x3FAE]  }
0x2a: {  	p0 =	seq.s32 s5, $0x0;
	s5 =	sld [smem:$0x3FAF]  }
0x2b: {  	s6 =	sld [smem:$0x3FB0]  }
0x2c: {  	s7 =	sld [smem:$0x3FB1]  }
0x2d: {  	s3 =	simm.s32 $0x108;
	s8 =	sld [smem:$0x3FB2]  }
0x2e: {  	s3 =	simm.s32 @!p0 $0x1082;
	s9 =	sld [smem:$0x3FB3]  }
0x2f: {  	lr =	sadd.s32 s0, s3;
	s0 =	sld [smem:$0x3FAA]  }
0x30: {  	s3 =	sld [smem:$0x3FAD]  }
0x31: {  	[smem:$0x3FB6] =	sst s10  }
0x32: {  	s10 =	sld [smem:$0x3FB4];
	_ =	sdelay $0x3  }
0x33: {  	p0 =	seq.s32 s10, $0x1;
	s10 =	sld [smem:$0x3FB6];
	_ =	sdelay $0x3  }
0x34: {  	[smem:$0x3FB6] =	sst s10  }
0x35: {  	s10 =	sld [smem:$0x3FB5];
	_ =	sdelay $0x3  }
0x36: {  	p1 =	seq.s32 s10, $0x1;
	s10 =	sld [smem:$0x3FB6];
	_ =	sdelay $0x3  }
0x37: {  	[smem:$0x3FB6] =	sst s10  }
0x38: {  	s10 =	sld [smem:$0x3FB7]  }
0x39: {  	_ = 	snop;
	(pc) =	sbr.ind lr, $3  }
0x3a: {  	_ = 	snop  }
0x3b: {  	_ = 	snop  }
0x3c: {  	p2 =	seq.s32 s10, $0x1;
	s10 =	sld [smem:$0x3FB6]  }
0x3d: {  	_ =	shalt  }
0x3e: {  	_ =	shalt  }
0x3f: {  	_ =	shalt  }
0x40: {  	_ =	shalt  }
0x41: {  	_ =	shalt  }
0x42: {  	_ =	shalt  }
0x43: {  	_ =	shalt  }
0x44: {  	_ =	shalt  }
0x45: {  	_ =	shalt  }
0x46: {  	_ =	shalt  }
0x47: {  	_ =	shalt  }
0x48: {  	_ =	shalt  }
0x49: {  	_ =	shalt  }
0x4a: {  	_ =	shalt  }
0x4b: {  	_ =	shalt  }
0x4c: {  	_ =	shalt  }
0x4d: {  	_ =	shalt  }
0x4e: {  	_ =	shalt  }
0x4f: {  	_ =	shalt  }
0x50: {  	_ =	shalt  }
0x51: {  	_ =	shalt  }
0x52: {  	_ =	shalt  }
0x53: {  	_ =	shalt  }
0x54: {  	_ =	shalt  }
0x55: {  	_ =	shalt  }
0x56: {  	_ =	shalt  }
0x57: {  	_ =	shalt  }
0x58: {  	_ =	shalt  }
0x59: {  	_ =	shalt  }
0x5a: {  	_ =	shalt  }
0x5b: {  	_ =	shalt  }
0x5c: {  	_ =	shalt  }
0x5d: {  	_ =	shalt  }
0x5e: {  	_ =	shalt  }
0x5f: {  	_ =	shalt  }
0x60: {  	_ =	shalt  }
0x61: {  	_ =	shalt  }
0x62: {  	_ =	shalt  }
0x63: {  	_ =	shalt  }
0x64: {  	_ =	shalt  }
0x65: {  	_ =	shalt  }
0x66: {  	_ =	shalt  }
0x67: {  	_ =	shalt  }
0x68: {  	_ =	shalt  }
0x69: {  	_ =	shalt  }
0x6a: {  	_ =	shalt  }
0x6b: {  	_ =	shalt  }
0x6c: {  	_ =	shalt  }
0x6d: {  	_ =	shalt  }
0x6e: {  	_ =	shalt  }
0x6f: {  	_ =	shalt  }
0x70: {  	_ =	shalt  }
0x71: {  	_ =	shalt  }
0x72: {  	_ =	shalt  }
0x73: {  	_ =	shalt  }
0x74: {  	_ =	shalt  }
0x75: {  	_ =	shalt  }
0x76: {  	_ =	shalt  }
0x77: {  	_ =	shalt  }
0x78: {  	_ =	shalt  }
0x79: {  	_ =	shalt  }
0x7a: {  	_ =	shalt  }
0x7b: {  	_ =	shalt  }
0x7c: {  	_ =	shalt  }
0x7d: {  	_ =	shalt  }
0x7e: {  	_ =	shalt  }
0x7f: {  	_ =	shalt  }
0x80: {  	_ =	shalt  }
0x81: {  	_ =	shalt  }
0x82: {  	_ =	shalt  }
0x83: {  	_ =	shalt  }
0x84: {  	_ =	shalt  }
0x85: {  	_ =	shalt  }
0x86: {  	_ =	shalt  }
0x87: {  	_ =	shalt  }
.Lfunc_end0:
.L_simem_size_0:
called_computation_lowered:
.L_overlay_start_0:
0x88: {  	s2 =	sld [smem:$0x3FD9]  }
0x89: {  	s3 =	sld [smem:$0x3FFE];
	_ =	sdelay $0x1  }
0x8a: {  	s1 =	srdreg.scid  }
0x8b: {  	s0 =	sand.u32 $0x1, s1  }
0x8c: {  	s14 =	sshll.u32 s0, $0xA;
	s2 =	sadd.s32 s3, s2  }
0x8d: {  	s2 =	sadd.s32 s2, s14  }
0x8e: {  	[smem:$0x3FC2] =	sst s2  }
0x8f: {  	_ = 	snop  }
0x90: {  	s2 =	sld [smem:$0x3FD0];
	_ =	sdelay $0x2  }
0x91: {  	s4 =	simm.s32 $0xA;
	s5 =	simm.s32 $0x10;
	s15 =	sld [smem:$0x3FC9]  }
0x92: {  	[smem:s5], [sflag:s4] =	dma.local [hbm:s2], $0x1  }
0x93: {  	_ =	swait.eq [sflag:s4], $0x1  }
0x94: {  	[sflag:s4] =	ssyncset.done $0x0  }
0x95: {  	[sflag:s4] =	ssyncadd.s32 $0xFFFFFFFF  }
0x96: {  	s16 =	sld [smem:$0x10];
	(tm) =	ssettm $0x1  }
0x97: {  	s17 =	sld [smem:$0x3FFB];
	_ =	sdelay $0x3  }
0x98: {  	_ =	strace s17  }
0x99: {  	s4 =	sld [smem:$0x3FFC];
	_ =	sdelay $0x3  }
0x9a: {  	_ =	strace s4  }
0x9b: {  	s4 =	sld [smem:$0x3FFD];
	_ =	sdelay $0x3  }
0x9c: {  	_ =	strace s4  }
0x9d: {  	_ =	strace $0x8FFFFFFF  }
0x9e: {  	s18 =	sld [smem:$0x3FDB];
	_ =	sdelay $0x1  }
0x9f: {  	s19 =	simm.s32 $_scs_section_size  }
0xa0: {  	s6 =	simm.s32 $_size__tile_overlayer_lowered;
	s7 =	simm.s32 $_tile_overlayer_lowered  }
0xa1: {  	s22 =	simm.s32 $0x1BFF;
	s21 =	sshll.u32 s7, $0x1;
	s4 =	sadd.s32 s19, s18  }
0xa2: {  	s8 =	simm.s32 $0x0;
	s20 =	sshll.u32 s6, $0x1;
	s6 =	sadd.s32 s21, s4  }
0xa3: {  	[timem:s8], [sflag:s22] =	dma.local [hbm:s6], s20  }
0xa4: {  	_ =	swait.ge [sflag:s22], s20  }
0xa5: {  	s5 =	ssub.s32 $0x0, s20;
	[sflag:s22] =	ssyncset.done $0x0  }
0xa6: {  	[sflag:s22] =	ssyncadd.s32 s5;
	_ =	sdelay $0x1  }
0xa7: {  	s23 =	simm.s32 $0x1B8B  }
0xa8: {  	_ =	swait.ge [sflag:s23], $0x1  }
0xa9: {  	[sflag:s23] =	ssyncset.done $0x0  }
0xaa: {  	s25 =	simm.s32 $0x1B8E;
	s24 =	sld [smem:$0x3FFE];
	[sflag:s23] =	ssyncadd.s32 $0xFFFFFFFF  }
0xab: {  	s26 =	simm.s32 $execute0_lowered;
	[smem:$0x3FD2] =	sst s25  }
0xac: {  	s6 =	sshll.u32 s26, $0x1;
	_ =	strace $0x80000046;
	[dreg:$0x1] =	wrdreg $0xFFFFFFFF  }
0xad: {  	s28 =	simm.s32 $_size_execute0_lowered;
	s4 =	sadd.s32 s4, s6;
	[dreg:$0x0] =	wrdreg $0x0  }
0xae: {  	s6 =	sshll.u32 s28, $0x1;
	[dreg:$0x2] =	wrdreg s4  }
0xaf: {  	[dreg:$0x3] =	wrdreg s6  }
0xb0: {  	[dreg:$0x4] =	wrdreg $0xC0  }
0xb1: {  	_ =	task [dreg:s8], $0x5FFFF  }
0xb2: {  	[dreg:$0x1] =	wrdreg $0xFFFFFFFF  }
0xb3: {  	[dreg:$0x0] =	wrdreg $0x60  }
0xb4: {  	[dreg:$0x2] =	wrdreg s15  }
0xb5: {  	[dreg:$0x3] =	wrdreg s24  }
0xb6: {  	[dreg:$0x4] =	wrdreg s16  }
0xb7: {  	[dreg:$0x5] =	wrdreg $0x9  }
0xb8: {  	_ =	task.clear_ibuf [dreg:s8], $0x6FFFF;
	_ =	strace $0x90000046  }
0xb9: {  	s29 =	simm.s32 $0x9;
	_ =	strace $0x80000048  }
0xba: {  	_ =	swait.ge [sflag:s29], $0x1  }
0xbb: {  	[sflag:s29] =	ssyncadd.s32 $0xFFFFFFFF  }
0xbc: {  	_ =	strace $0x90000048  }
0xbd: {  	_ =	sfence  }
0xbe: {  	s30 =	sld [smem:$0x0];
	_ =	sdelay $0x2  }
0xbf: {  	s31 =	sshll.u32 s1, $0xD;
	s1 =	sshrl.u32 s1, $0x2  }
0xc0: {  	s3 =	sand.u32 $0x4000, s31;
	s1 =	sadd.s32 s1, s30  }
0xc1: {  	s0 =	sor.u32 s3, s0;
	s1 =	sshll.u32 s1, $0x11  }
0xc2: {  	s0 =	sor.u32 s1, s0  }
0xc3: {  	s0 =	sadd.s32 $0x8F2B, s0  }
0xc4: {  	[sflag:s0] =	ssyncadd.remote.s32 $0x1  }
0xc5: {  	_ =	sfence.sel $0xFFFF  }
0xc6: {  	[dreg:$0x0] =	wrdreg $0xFFFFFFFF;
	(pc) =	sbr.abs _section_cstart, $3  }
0xc7: {  	[dreg:$0x1] =	wrdreg $0xFFFFFFFF  }
0xc8: {  	_ =	task.clear_ibuf [dreg:s8], $0x2FFFF;
	_ =	strace $0x9FFFFFFF  }
0xc9: {  	(tm) =	ssettm $0x7FFFFFFF  }
tec
execute0_lowered:
.L_overlay_start_1:
0x0: {  	(tag) =	ssettag $0x1  }
0x1: {  	s0 =	rddreg [dreg:$0x0]  }
0x2: {  	s1 =	rddreg [dreg:$0x1]  }
0x3: {  	s2 =	rddreg [dreg:$0x2]  }
0x4: {  	s3 =	srdreg.scid;
	s14 =	stileid.u32  }
0x5: {  	s16 =	simm.s32 $0x9;
	s17 =	simm.s32 $0x100;
	s20 =	simm.s32 $0x2  }
0x6: {  	s21 =	simm.s32 $0x4;
	s18 =	simm.s32 $0x0;
	s4 =	sand.u32 $0x1, s3  }
0x7: {  	s3 =	simm.s32 $0x0;
	s5 =	sshll.u32 s14, $0x8;
	s24 =	sadd.s32 $0x13000, s1  }
0x8: {  	s12 =	sadd.s32 $0x2C00, s1;
	s10 =	sadd.s32 $0x14100, s1;
	s28 =	sshll.u32 s14, $0xC  }
0x9: {  	s11 =	sadd.s32 $0x14200, s1;
	s29 =	sshll.u32 s14, $0xF;
	s6 =	sshll.u32 s4, $0x7  }
0xa: {  	[smem:$0x7FF] =	sst s3;
	s8 =	ssub.s32 $0x2, s4;
	s30 =	sshll.u32 s4, $0xB  }
0xb: {  	s4 =	sshll.u32 s4, $0xE;
	s6 =	sor.u32 s6, s5;
	_ =	strace $0x80000047  }
0xc: {  	[dreg:$0x4] =	wrdreg s24;
	s9 =	sshrl.u32 s8, $0x1;
	s5 =	sshrl.u32 s6, $0x3  }
0xd: {  	s13 =	ssub.s32 s8, s9;
	s26 =	sshll.u32 s6, $0x7;
	s6 =	sshll.u32 s6, $0x4  }
0xe: {  	s7 =	sadd.s32 s5, s1;
	s5 =	sadd.s32 $0x14000, s1;
	s8 =	sadd.s32 s0, s26  }
0xf: {  	s9 =	sadd.s32 s12, s6;
	s6 =	sadd.s32 s28, s12;
	s0 =	sadd.s32 s29, s0  }
0x10: {  	s12 =	sadd.s32 $0x14300, s1;
	s13 =	smax.u32 s13, $0x1;
	s25 =	sadd.s32 $0x12C00, s7  }
0x11: {  	v2 =	vlaneseq.u32;
	s1 =	simm.s32 $0x8;
	s7 =	sadd.s32 $0x12E00, s7;
	[dreg:$0x5] =	wrdreg s25  }
0x12: {  	vm0 =	vmmov $0xffff;
	v1 =	vshrl.u32 v2, $0x3;
	s31 =	sadd.s32 s30, s6;
	s0 =	sadd.s32 s4, s0;
	[dreg:$0x6] =	wrdreg s7  }
0x13: {  	v0 =	vand.u32 $0x7, v2;
	v2 =	vor.u32 $0x8, v2;
	v1 =	vmul.u32 $0x8, v1;
	s14 =	sadd.s32 $0x100, s31;
	s15 =	sadd.s32 $0x800, s0;
	s0 =	simm.s32 $0x6  }
.LBB2_1:
0x14: {  	s4 =	rddreg [dreg:$0x5]  }
0x15: {  	[tilespmem:s3], [sflag:$0x9] =	stream.linear.gather [hbm4b:s4+s3], $0x80, $0x38;
	[tilespmem:$0x9180] =	vst v63  }
0x16: {  	_ =	swait.ge [sflag:s16], $0x80  }
0x17: {  	[sflag:s16] =	ssyncset.done $0x0  }
0x18: {  	s4 =	simm.s32 $0x80;
	s6 =	rddreg [dreg:$0x6];
	[sflag:s16] =	ssyncadd.s32 $0xFFFFFF80  }
0x19: {  	[tilespmem:s4], [sflag:$0x9] =	stream.linear.gather [hbm4b:s6+s3], $0x80, $0x38;
	[tilespmem:$0x9180] =	vst v63  }
0x1a: {  	_ =	swait.ge [sflag:s16], $0x80  }
0x1b: {  	[sflag:s16] =	ssyncset.done $0x0  }
0x1c: {  	s24 =	rddreg [dreg:$0x4];
	[sflag:s16] =	ssyncadd.s32 $0xFFFFFF80  }
0x1d: {  	[tilespmem:s17], [sflag:$0x9] =	stream.linear.gather [hbm4b:s24+s3], $0x80, $0x38;
	[tilespmem:$0x9180] =	vst v63  }
0x1e: {  	_ =	swait.ge [sflag:s16], $0x80  }
0x1f: {  	s6 =	sand.u32 $0x1, s3;
	[sflag:s16] =	ssyncset.done $0x0  }
0x20: {  	s25 =	simm.s32 $0x180;
	s19 =	sxor.u32 $0x1, s6;
	[sflag:s16] =	ssyncadd.s32 $0xFFFFFF80  }
0x21: {  	[tilespmem:s25], [sflag:$0x1] =	stream.linear.gather [hbm4b:s8+s3], $0x4000, $0x38;
	[tilespmem:$0x9180] =	vst v63  }
0x22: {  	s26 =	simm.s32 $0x8180;
	s22 =	sshll.u32 s19, $0xE  }
0x23: {  	[tilespmem:s26], [sflag:$0x3] =	stream.linear.gather [hbm4b:s9+s3], $0x800, $0x38;
	[tilespmem:$0x9180] =	vst v63  }
0x24: {  	s23 =	sadd.s32 $0x1, s19;
	s22 =	sor.u32 $0x180, s22;
	s24 =	sshll.u32 s19, $0xB  }
0x25: {  	[tilespmem:s22], [sflag:s23] =	stream.linear.gather [hbm4b:s15+s3], $0x4000, $0x38;
	[tilespmem:$0x9180] =	vst v63  }
0x26: {  	s7 =	sadd.s32 $0x1, s6;
	s19 =	sadd.s32 $0x3, s19;
	s31 =	sor.u32 $0x8180, s24  }
0x27: {  	[tilespmem:s31], [sflag:s19] =	stream.linear.gather [hbm4b:s14+s3], $0x800, $0x38;
	[tilespmem:$0x9180] =	vst v63  }
0x28: {  	_ =	swait.ge [sflag:s7], $0x4000  }
0x29: {  	[sflag:s7] =	ssyncset.done $0x0  }
0x2a: {  	s24 =	sadd.s32 $0x3, s6;
	[sflag:s7] =	ssyncadd.s32 $0xFFFFC000  }
0x2b: {  	_ =	swait.ge [sflag:s24], $0x800  }
0x2c: {  	[sflag:s24] =	ssyncset.done $0x0  }
0x2d: {  	[sflag:s24] =	ssyncadd.s32 $0xFFFFF800  }
0x2e: {  	v3 =	vld [tilespmem:s3+$0x0];
	_ =	sdelay $0x6  }
0x2f: {  	v4 =	vld [tilespmem:s4+$0x0]  }
0x30: {  	v3 =	vld.idx.msk [tilespmem:v3+s17+$0x0], $0xffff;
	_ =	sdelay $0x4  }
0x31: {  	v3 =	vadd.s32 v3, v4  }
0x32: {  	v4 =	vshll.u32 v3, $0x3  }
0x33: {  	v5 =	vand.u32 $0x7, v3;
	v4 =	vand.u32 $0xFFFFFFC0, v4  }
0x34: {  	v4 =	vor.u32 v5, v4  }
0x35: {  	v5 =	vperm.xlane v4, v0;
	_ =	sdelay $0x1  }
0x36: {  	v5 =	vadd.s32 v1, v5;
	_ =	sdelay $0x2  }
0x37: {  	s4 =	sshll.u32 s6, $0xE  }
0x38: {  	s23 =	sadd.s32 $0x5, s6;
	s25 =	sor.u32 $0x180, s4  }
0x39: {  	[hbm4b:s5+s3] =	stream.indirect_vreg.scatter [tilespmem:s25], [sflag:s23], $0x80, v5, vm0, $0xb8;
	[tilespmem:$0x9180] =	vst v63  }
0x3a: {  	s26 =	sor.u32 $0x980, s4;
	v4 =	vperm.xlane v4, v2  }
0x3b: {  	[hbm4b:s10+s3] =	stream.indirect_vreg.scatter [tilespmem:s26], [sflag:s23], $0x80, v5, vm0, $0xb8;
	[tilespmem:$0x9180] =	vst v63  }
0x3c: {  	s31 =	sor.u32 $0x1180, s4;
	v4 =	vadd.s32 v1, v4  }
0x3d: {  	[hbm4b:s11+s3] =	stream.indirect_vreg.scatter [tilespmem:s31], [sflag:s23], $0x80, v5, vm0, $0xb8;
	[tilespmem:$0x9180] =	vst v63  }
0x3e: {  	s7 =	sor.u32 $0x1980, s4  }
0x3f: {  	[hbm4b:s12+s3] =	stream.indirect_vreg.scatter [tilespmem:s7], [sflag:s23], $0x80, v5, vm0, $0xb8;
	[tilespmem:$0x9180] =	vst v63  }
0x40: {  	s22 =	sor.u32 $0x2180, s4  }
0x41: {  	[hbm4b:s5+s3] =	stream.indirect_vreg.scatter [tilespmem:s22], [sflag:s23], $0x80, v4, vm0, $0xb8;
	[tilespmem:$0x9180] =	vst v63  }
0x42: {  	s24 =	sor.u32 $0x2980, s4  }
0x43: {  	[hbm4b:s10+s3] =	stream.indirect_vreg.scatter [tilespmem:s24], [sflag:s23], $0x80, v4, vm0, $0xb8;
	[tilespmem:$0x9180] =	vst v63  }
0x44: {  	s25 =	sor.u32 $0x3180, s4  }
0x45: {  	[hbm4b:s11+s3] =	stream.indirect_vreg.scatter [tilespmem:s25], [sflag:s23], $0x80, v4, vm0, $0xb8;
	[tilespmem:$0x9180] =	vst v63  }
0x46: {  	s4 =	sor.u32 $0x3980, s4;
	s26 =	sshll.u32 s6, $0xB  }
0x47: {  	[hbm4b:s12+s3] =	stream.indirect_vreg.scatter [tilespmem:s4], [sflag:s23], $0x80, v4, vm0, $0xb8;
	[tilespmem:$0x9180] =	vst v63  }
0x48: {  	s28 =	simm.s32 $0x2;
	s30 =	sadd.s32 $0x7, s6;
	s19 =	sor.u32 $0x8180, s26  }
0x49: {  	[hbm4b:s2+s3] =	stream.indirect_vreg.scatter [tilespmem:s19], [sflag:s30], $0x80, v3, vm0, $0xb8;
	[tilespmem:$0x9180] =	vst v63  }
0x4a: {  	s26 =	sadd.s32 $0x800, s15;
	s31 =	simm.s32 $0x1;
	_ =	swait.ge [sflag:s23], $0x4000  }
0x4b: {  	s22 =	simm.s32 $0x90;
	s19 =	sand.u32 $0x1, s31;
	[sflag:s23] =	ssyncset.done $0x0  }
0x4c: {  	s24 =	simm.s32 $0x10;
	s4 =	sxor.u32 $0x1, s19;
	[sflag:s23] =	ssyncadd.s32 $0xFFFFC000  }
0x4d: {  	s25 =	sadd.s32 $0x100, s14;
	s29 =	sshll.u32 s4, $0xE;
	_ =	swait.ge [sflag:s30], $0x800  }
0x4e: {  	s6 =	sadd.s32 $0x1, s4;
	s23 =	sshll.u32 s19, $0xE;
	[sflag:s30] =	ssyncset.done $0x0  }
.LBB2_2:
0x4f: {  	s31 =	sor.u32 $0x180, s29  }
0x50: {  	s7 =	sshll.u32 s4, $0xB;
	[sflag:s30] =	ssyncadd.s32 $0xFFFFF800;
	s29 =	smov.u32 s28  }
0x51: {  	[tilespmem:s31], [sflag:s6] =	stream.linear.gather [hbm4b:s26+s3], $0x4000, $0x38;
	[tilespmem:$0x9180] =	vst v63  }
0x52: {  	s4 =	sadd.s32 $0x3, s4;
	s6 =	sor.u32 $0x8180, s7;
	s7 =	sadd.s32 $0x1, s19  }
0x53: {  	[tilespmem:s6], [sflag:s4] =	stream.linear.gather [hbm4b:s25+s3], $0x800, $0x38;
	[tilespmem:$0x9180] =	vst v63  }
0x54: {  	s30 =	sshll.u32 s19, $0xB;
	s31 =	sadd.s32 $0x1, s28;
	_ =	swait.ge [sflag:s7], $0x4000  }
0x55: {  	p0 =	sne.s32 s28, $0x6;
	[sflag:s7] =	ssyncset.done $0x0  }
0x56: {  	s4 =	sadd.s32 $0x3, s19;
	[sflag:s7] =	ssyncadd.s32 $0xFFFFC000  }
0x57: {  	_ =	swait.ge [sflag:s4], $0x800  }
0x58: {  	[sflag:s4] =	ssyncset.done $0x0  }
0x59: {  	[sflag:s4] =	ssyncadd.s32 $0xFFFFF800  }
0x5a: {  	v3 =	vld [tilespmem:s24+$0x0];
	_ =	sdelay $0x7  }
0x5b: {  	v3 =	vld.idx.msk [tilespmem:v3+s17+$0x0], $0xffff  }
0x5c: {  	v4 =	vld [tilespmem:s22+$0x0];
	_ =	sdelay $0x4  }
0x5d: {  	v3 =	vadd.s32 v3, v4  }
0x5e: {  	v4 =	vshll.u32 v3, $0x3  }
0x5f: {  	v5 =	vand.u32 $0x7, v3;
	v4 =	vand.u32 $0xFFFFFFC0, v4  }
0x60: {  	v4 =	vor.u32 v5, v4  }
0x61: {  	v5 =	vperm.xlane v4, v0;
	v4 =	vperm.xlane v4, v2;
	_ =	sdelay $0x1  }
0x62: {  	v5 =	vadd.s32 v1, v5;
	_ =	sdelay $0x3  }
0x63: {  	s6 =	sadd.s32 $0x5, s19;
	s4 =	sor.u32 $0x180, s23  }
0x64: {  	[hbm4b:s5+s3] =	stream.indirect_vreg.scatter [tilespmem:s4], [sflag:s6], $0x80, v5, vm0, $0xb8;
	[tilespmem:$0x9180] =	vst v63  }
0x65: {  	s4 =	sor.u32 $0x980, s23  }
0x66: {  	[hbm4b:s10+s3] =	stream.indirect_vreg.scatter [tilespmem:s4], [sflag:s6], $0x80, v5, vm0, $0xb8;
	[tilespmem:$0x9180] =	vst v63  }
0x67: {  	v4 =	vadd.s32 v1, v4;
	s4 =	sor.u32 $0x1180, s23  }
0x68: {  	[hbm4b:s11+s3] =	stream.indirect_vreg.scatter [tilespmem:s4], [sflag:s6], $0x80, v5, vm0, $0xb8;
	[tilespmem:$0x9180] =	vst v63  }
0x69: {  	s4 =	sor.u32 $0x1980, s23  }
0x6a: {  	[hbm4b:s12+s3] =	stream.indirect_vreg.scatter [tilespmem:s4], [sflag:s6], $0x80, v5, vm0, $0xb8;
	[tilespmem:$0x9180] =	vst v63  }
0x6b: {  	s4 =	sor.u32 $0x2180, s23  }
0x6c: {  	[hbm4b:s5+s3] =	stream.indirect_vreg.scatter [tilespmem:s4], [sflag:s6], $0x80, v4, vm0, $0xb8;
	[tilespmem:$0x9180] =	vst v63  }
0x6d: {  	s4 =	sor.u32 $0x2980, s23  }
0x6e: {  	[hbm4b:s10+s3] =	stream.indirect_vreg.scatter [tilespmem:s4], [sflag:s6], $0x80, v4, vm0, $0xb8;
	[tilespmem:$0x9180] =	vst v63  }
0x6f: {  	s4 =	sor.u32 $0x3180, s23  }
0x70: {  	[hbm4b:s11+s3] =	stream.indirect_vreg.scatter [tilespmem:s4], [sflag:s6], $0x80, v4, vm0, $0xb8;
	[tilespmem:$0x9180] =	vst v63  }
0x71: {  	s4 =	sor.u32 $0x3980, s23  }
0x72: {  	[hbm4b:s12+s3] =	stream.indirect_vreg.scatter [tilespmem:s4], [sflag:s6], $0x80, v4, vm0, $0xb8;
	[tilespmem:$0x9180] =	vst v63  }
0x73: {  	s26 =	sadd.s32 $0x800, s26;
	s4 =	sor.u32 $0x8180, s30;
	s30 =	sadd.s32 $0x7, s19  }
0x74: {  	[hbm4b:s2+s3] =	stream.indirect_vreg.scatter [tilespmem:s4], [sflag:s30], $0x80, v3, vm0, $0xb8;
	[tilespmem:$0x9180] =	vst v63  }
.Ltmp0:
0x75: {  	s28 =	smov.u32 s31;
	_ =	swait.ge [sflag:s6], $0x4000;
	(pc) =	sbr.rel @p0 .LBB2_2-.Ltmp0, $4  }
0x76: {  	s25 =	sadd.s32 $0x100, s25;
	s22 =	sadd.s32 $0x10, s22;
	[sflag:s6] =	ssyncset.done $0x0  }
0x77: {  	s24 =	sadd.s32 $0x10, s24;
	s19 =	sand.u32 $0x1, s29;
	[sflag:s6] =	ssyncadd.s32 $0xFFFFC000  }
0x78: {  	s23 =	sshll.u32 s19, $0xE;
	s4 =	sxor.u32 $0x1, s19;
	_ =	swait.ge [sflag:s30], $0x800  }
0x79: {  	s29 =	sshll.u32 s4, $0xE;
	s6 =	sadd.s32 $0x1, s4;
	[sflag:s30] =	ssyncset.done $0x0  }
0x7a: {  	[sflag:s30] =	ssyncadd.s32 $0xFFFFF800;
	s7 =	sor.u32 $0x180, s29;
	s29 =	sshll.u32 s4, $0xB  }
0x7b: {  	[tilespmem:s7], [sflag:s6] =	stream.linear.gather [hbm4b:s26+s3], $0x4000, $0x38;
	[tilespmem:$0x9180] =	vst v63  }
0x7c: {  	s30 =	sadd.s32 $0x3, s4;
	s31 =	sadd.s32 $0x1, s19;
	s6 =	sor.u32 $0x8180, s29  }
0x7d: {  	[tilespmem:s6], [sflag:s30] =	stream.linear.gather [hbm4b:s25+s3], $0x800, $0x38;
	[tilespmem:$0x9180] =	vst v63  }
0x7e: {  	_ =	swait.ge [sflag:s31], $0x4000  }
0x7f: {  	[sflag:s31] =	ssyncset.done $0x0  }
0x80: {  	s6 =	sadd.s32 $0x3, s19;
	[sflag:s31] =	ssyncadd.s32 $0xFFFFC000  }
0x81: {  	_ =	swait.ge [sflag:s6], $0x800  }
0x82: {  	[sflag:s6] =	ssyncset.done $0x0  }
0x83: {  	[sflag:s6] =	ssyncadd.s32 $0xFFFFF800  }
0x84: {  	v3 =	vld [tilespmem:s24+$0x0];
	_ =	sdelay $0x6  }
0x85: {  	v4 =	vld [tilespmem:s22+$0x0]  }
0x86: {  	v3 =	vld.idx.msk [tilespmem:v3+s17+$0x0], $0xffff;
	_ =	sdelay $0x4  }
0x87: {  	v3 =	vadd.s32 v3, v4  }
0x88: {  	v4 =	vshll.u32 v3, $0x3  }
0x89: {  	v5 =	vand.u32 $0x7, v3;
	v4 =	vand.u32 $0xFFFFFFC0, v4  }
0x8a: {  	v4 =	vor.u32 v5, v4  }
0x8b: {  	v5 =	vperm.xlane v4, v0;
	_ =	sdelay $0x1  }
0x8c: {  	v5 =	vadd.s32 v1, v5;
	_ =	sdelay $0x3  }
0x8d: {  	s7 =	sor.u32 $0x180, s23;
	s22 =	sadd.s32 $0x5, s19  }
0x8e: {  	[hbm4b:s5+s3] =	stream.indirect_vreg.scatter [tilespmem:s7], [sflag:s22], $0x80, v5, vm0, $0xb8;
	[tilespmem:$0x9180] =	vst v63  }
0x8f: {  	s24 =	sor.u32 $0x980, s23;
	v4 =	vperm.xlane v4, v2  }
0x90: {  	[hbm4b:s10+s3] =	stream.indirect_vreg.scatter [tilespmem:s24], [sflag:s22], $0x80, v5, vm0, $0xb8;
	[tilespmem:$0x9180] =	vst v63  }
0x91: {  	s25 =	sor.u32 $0x1180, s23;
	v4 =	vadd.s32 v1, v4  }
0x92: {  	[hbm4b:s11+s3] =	stream.indirect_vreg.scatter [tilespmem:s25], [sflag:s22], $0x80, v5, vm0, $0xb8;
	[tilespmem:$0x9180] =	vst v63  }
0x93: {  	s26 =	sor.u32 $0x1980, s23  }
0x94: {  	[hbm4b:s12+s3] =	stream.indirect_vreg.scatter [tilespmem:s26], [sflag:s22], $0x80, v5, vm0, $0xb8;
	[tilespmem:$0x9180] =	vst v63  }
0x95: {  	s28 =	sor.u32 $0x2180, s23  }
0x96: {  	[hbm4b:s5+s3] =	stream.indirect_vreg.scatter [tilespmem:s28], [sflag:s22], $0x80, v4, vm0, $0xb8;
	[tilespmem:$0x9180] =	vst v63  }
0x97: {  	s29 =	sor.u32 $0x2980, s23  }
0x98: {  	[hbm4b:s10+s3] =	stream.indirect_vreg.scatter [tilespmem:s29], [sflag:s22], $0x80, v4, vm0, $0xb8;
	[tilespmem:$0x9180] =	vst v63  }
0x99: {  	s30 =	sor.u32 $0x3180, s23  }
0x9a: {  	[hbm4b:s11+s3] =	stream.indirect_vreg.scatter [tilespmem:s30], [sflag:s22], $0x80, v4, vm0, $0xb8;
	[tilespmem:$0x9180] =	vst v63  }
0x9b: {  	s31 =	sor.u32 $0x3980, s23;
	s7 =	sshll.u32 s19, $0xB  }
0x9c: {  	[hbm4b:s12+s3] =	stream.indirect_vreg.scatter [tilespmem:s31], [sflag:s22], $0x80, v4, vm0, $0xb8;
	[tilespmem:$0x9180] =	vst v63  }
0x9d: {  	s19 =	sadd.s32 $0x7, s19;
	s4 =	sor.u32 $0x8180, s7  }
0x9e: {  	[hbm4b:s2+s3] =	stream.indirect_vreg.scatter [tilespmem:s4], [sflag:s19], $0x80, v3, vm0, $0xb8;
	[tilespmem:$0x9180] =	vst v63  }
0x9f: {  	_ =	swait.ge [sflag:s22], $0x4000  }
0xa0: {  	[sflag:s22] =	ssyncset.done $0x0  }
0xa1: {  	[sflag:s22] =	ssyncadd.s32 $0xFFFFC000  }
0xa2: {  	_ =	swait.ge [sflag:s19], $0x800  }
0xa3: {  	[sflag:s19] =	ssyncset.done $0x0  }
0xa4: {  	[sflag:s19] =	ssyncadd.s32 $0xFFFFF800  }
0xa5: {  	_ =	swait.ge [sflag:s20], $0x4000  }
0xa6: {  	[sflag:s20] =	ssyncset.done $0x0  }
0xa7: {  	[sflag:s20] =	ssyncadd.s32 $0xFFFFC000  }
0xa8: {  	_ =	swait.ge [sflag:s21], $0x800  }
0xa9: {  	[sflag:s21] =	ssyncset.done $0x0  }
0xaa: {  	[sflag:s21] =	ssyncadd.s32 $0xFFFFF800  }
0xab: {  	v3 =	vld [tilespmem:$0x70];
	_ =	sdelay $0x6  }
0xac: {  	v62 =	vld [tilespmem:$0xF0]  }
0xad: {  	v3 =	vld.idx.msk [tilespmem:v3+s17+$0x0], $0xffff;
	_ =	sdelay $0x4  }
0xae: {  	v3 =	vadd.s32 v3, v62  }
0xaf: {  	v4 =	vshll.u32 v3, $0x3  }
0xb0: {  	v63 =	vand.u32 $0x7, v3;
	v4 =	vand.u32 $0xFFFFFFC0, v4  }
0xb1: {  	v4 =	vor.u32 v63, v4  }
0xb2: {  	v5 =	vperm.xlane v4, v0;
	_ =	sdelay $0x1  }
0xb3: {  	v5 =	vadd.s32 v1, v5;
	_ =	sdelay $0x3  }
0xb4: {  	s22 =	simm.s32 $0x4180  }
0xb5: {  	[hbm4b:s5+s3] =	stream.indirect_vreg.scatter [tilespmem:s22], [sflag:$0x6], $0x80, v5, vm0, $0xb8;
	[tilespmem:$0x9180] =	vst v63  }
0xb6: {  	s23 =	simm.s32 $0x4980;
	v4 =	vperm.xlane v4, v2  }
0xb7: {  	[hbm4b:s10+s3] =	stream.indirect_vreg.scatter [tilespmem:s23], [sflag:$0x6], $0x80, v5, vm0, $0xb8;
	[tilespmem:$0x9180] =	vst v63  }
0xb8: {  	s24 =	simm.s32 $0x5180;
	v4 =	vadd.s32 v1, v4  }
0xb9: {  	[hbm4b:s11+s3] =	stream.indirect_vreg.scatter [tilespmem:s24], [sflag:$0x6], $0x80, v5, vm0, $0xb8;
	[tilespmem:$0x9180] =	vst v63  }
0xba: {  	s25 =	simm.s32 $0x5980  }
0xbb: {  	[hbm4b:s12+s3] =	stream.indirect_vreg.scatter [tilespmem:s25], [sflag:$0x6], $0x80, v5, vm0, $0xb8;
	[tilespmem:$0x9180] =	vst v63  }
0xbc: {  	s26 =	simm.s32 $0x6180  }
0xbd: {  	[hbm4b:s5+s3] =	stream.indirect_vreg.scatter [tilespmem:s26], [sflag:$0x6], $0x80, v4, vm0, $0xb8;
	[tilespmem:$0x9180] =	vst v63  }
0xbe: {  	s28 =	simm.s32 $0x6980  }
0xbf: {  	[hbm4b:s10+s3] =	stream.indirect_vreg.scatter [tilespmem:s28], [sflag:$0x6], $0x80, v4, vm0, $0xb8;
	[tilespmem:$0x9180] =	vst v63  }
0xc0: {  	s29 =	simm.s32 $0x7180  }
0xc1: {  	[hbm4b:s11+s3] =	stream.indirect_vreg.scatter [tilespmem:s29], [sflag:$0x6], $0x80, v4, vm0, $0xb8;
	[tilespmem:$0x9180] =	vst v63  }
0xc2: {  	s30 =	simm.s32 $0x7980  }
0xc3: {  	[hbm4b:s12+s3] =	stream.indirect_vreg.scatter [tilespmem:s30], [sflag:$0x6], $0x80, v4, vm0, $0xb8;
	[tilespmem:$0x9180] =	vst v63  }
0xc4: {  	s18 =	sadd.s32 $0x1, s18;
	s31 =	simm.s32 $0x8980  }
0xc5: {  	[hbm4b:s2+s3] =	stream.indirect_vreg.scatter [tilespmem:s31], [sflag:$0x8], $0x80, v3, vm0, $0xb8;
	[tilespmem:$0x9180] =	vst v63  }
0xc6: {  	p0 =	sne.s32 s18, s13;
	_ =	swait.ge [sflag:s0], $0x4000  }
.Ltmp1:
0xc7: {  	[sflag:s0] =	ssyncset.done $0x0;
	(pc) =	sbr.rel @p0 .LBB2_1-.Ltmp1, $4  }
0xc8: {  	[sflag:s0] =	ssyncadd.s32 $0xFFFFC000  }
0xc9: {  	_ =	swait.ge [sflag:s1], $0x800  }
0xca: {  	[sflag:s1] =	ssyncset.done $0x0  }
0xcb: {  	[sflag:s1] =	ssyncadd.s32 $0xFFFFF800  }
0xcc: {  	_ =	sfence.sel $0x180000  }
0xcd: {  	[bflag:$0x0] =	sbarrier.arrive $0xFFFF  }
0xce: {  	_ =	strace $0x90000047  }
0xcf: {  	s0 =	stileid.u32;
	[bflag:$0x2] =	sbarrier.arrive $0xFFFF  }
0xd0: {  	p0 =	sne.s32 s0, $0x0;
	s0 =	rddreg [dreg:$0x3]  }
0xd1: {  	s0 =	sadd.s32 @!p0 $0x100000, s0  }
0xd2: {  	[sflag:s0] =	ssyncadd.tile.s32 @!p0 $0x1;
	_ =	shalt  }
.Lfunc_end2:
_tile_overlayer_lowered:
.L_overlay_start_2:
0xd3: {  	(tag) =	ssettag $0x2  }
0xd4: {  	s0 =	rddreg [dreg:$0x0];
	s2 =	stileid.u32  }
0xd5: {  	s1 =	rddreg [dreg:$0x1];
	p0 =	sne.s32 s2, $0x0  }
0xd6: {  	s3 =	rddreg [dreg:$0x2];
	[bflag:$0x3] =	sbarrier.arrive $0xFFFF;
	s2 =	simm.s32 @!p0 $0x1C09  }
0xd7: {  	[timem:s3], [sflag:s2] =	dma.local @!p0 [hbm:s0], s1  }
0xd8: {  	s0 =	simm.s32 @!p0 $0x9  }
0xd9: {  	_ =	swait.ge @!p0 [sflag:s0], s1  }
0xda: {  	s1 =	ssub.s32 @!p0 $0x0, s1;
	[sflag:s0] =	ssyncset.done @!p0 $0x0  }
0xdb: {  	[sflag:s0] =	ssyncadd.s32 @!p0 s1  }
0xdc: {  	[bflag:$0x3] =	sbarrier.arrive $0xFFFF  }
0xdd: {  	_ =	shalt  }

// kernel: kernel.9.cloned.1.call-start
scs
__scs_entry_jumppad:
0x0: {  	(pc) =	sbr.rel $0x88, $3  }
0x1: {  	(tag) =	ssettag $0x0;
	lr =	simm.s32 $0x1  }
0x2: {  	[smem:$0x3F9B] =	sst lr;
	_ =	strace $0xD0000000  }
0x3: {  	_ = 	snop  }
0x4: {  	_ = 	snop  }
0x5: {  	_ = 	snop  }
0x6: {  	_ = 	snop  }
0x7: {  	_ = 	snop  }
__scs_overlays_trampoline_lowered:
0x8: {  	[smem:$0x3FAA] =	sst s0  }
0x9: {  	[smem:$0x3FAB] =	sst s1  }
0xa: {  	[smem:$0x3FAC] =	sst s2  }
0xb: {  	[smem:$0x3FAD] =	sst s3  }
0xc: {  	[smem:$0x3FAE] =	sst s4  }
0xd: {  	[smem:$0x3FAF] =	sst s5  }
0xe: {  	[smem:$0x3FB0] =	sst s6  }
0xf: {  	[smem:$0x3FB1] =	sst s7  }
0x10: {  	[smem:$0x3FB2] =	sst s8  }
0x11: {  	[smem:$0x3FB3] =	sst s9;
	s0 =	simm.s32 @!p0 $0x0  }
0x12: {  	s1 =	sld [smem:$0x3F99];
	s0 =	simm.s32 @p0 $0x1  }
0x13: {  	[smem:$0x3FB4] =	sst s0;
	s0 =	simm.s32 @!p1 $0x0  }
0x14: {  	s2 =	sld [smem:$0x3F98];
	s0 =	simm.s32 @p1 $0x1  }
0x15: {  	[smem:$0x3FB5] =	sst s0;
	s0 =	simm.s32 @!p2 $0x0  }
0x16: {  	s3 =	sld [smem:$0x3FDB];
	s0 =	simm.s32 @p2 $0x1  }
0x17: {  	s4 =	simm.s32 $0x1BF5;
	[smem:$0x3FB7] =	sst s0  }
0x18: {  	s0 =	sld [smem:$0x3F9A];
	_ =	swait.ge [sflag:s4], $0x0  }
0x19: {  	s7 =	sld [smem:$0x3F9B]  }
0x1a: {  	s8 =	sadd.s32 $0xFFFFE003, lr  }
0x1b: {  	s9 =	sadd.s32 $0xFFFFFEF7, lr;
	s5 =	simm.s32 $0xFFFFFFFF;
	p2 =	slt.u32 s8, $0xFFFFF086  }
0x1c: {  	p1 =	slt.u32 s9, $0xF7A;
	s5 =	simm.s32 @!p2 $0x0  }
0x1d: {  	s5 =	simm.s32 @p1 $0x1;
	p0 =	seq.s32 s7, s2  }
0x1e: {  	s7 =	smul.u32 @!p0 $0xF7A, s2;
	p2 =	seq.s32 @!p0 s5, $0x0  }
0x1f: {  	s9 =	smul.u32 $0xF7A, s1;
	s8 =	simm.s32 @!p0 $0x1BF5;
	p2 =	por !p2, p0  }
0x20: {  	[sflag:s8] =	ssyncset.s32 @!p0 $0xFFFFF086;
	s6 =	sadd.s32 @!p0 s3, s7;
	s7 =	simm.s32 @!p0 $0x108  }
0x21: {  	s3 =	sadd.s32 s3, s9;
	s6 =	sadd.s32 @!p0 $0x88, s6;
	s7 =	simm.s32 @p2 $0x1082  }
0x22: {  	[simem:s7], [sflag:s8] =	dma.local @!p0 [hbm:s6], $0xF7A  }
0x23: {  	s9 =	sor.u32 $0xD0000000, s2;
	s6 =	simm.s32 $0x108;
	_ =	swait.ge @!p0 [sflag:s8], $0x0  }
0x24: {  	s3 =	sadd.s32 $0x88, s3;
	s6 =	simm.s32 @!p1 $0x1082;
	[sflag:s4] =	ssyncset.s32 $0xFFFFF086  }
0x25: {  	[simem:s6], [sflag:s4] =	dma.local [hbm:s3], $0xF7A  }
0x26: {  	[smem:$0x3F9B] =	sst s1;
	(tag) =	ssettag s2;
	_ =	strace s9  }
0x27: {  	s1 =	sld [smem:$0x3FAB]  }
0x28: {  	s2 =	sld [smem:$0x3FAC]  }
0x29: {  	s4 =	sld [smem:$0x3FAE]  }
0x2a: {  	p0 =	seq.s32 s5, $0x0;
	s5 =	sld [smem:$0x3FAF]  }
0x2b: {  	s6 =	sld [smem:$0x3FB0]  }
0x2c: {  	s7 =	sld [smem:$0x3FB1]  }
0x2d: {  	s3 =	simm.s32 $0x108;
	s8 =	sld [smem:$0x3FB2]  }
0x2e: {  	s3 =	simm.s32 @!p0 $0x1082;
	s9 =	sld [smem:$0x3FB3]  }
0x2f: {  	lr =	sadd.s32 s0, s3;
	s0 =	sld [smem:$0x3FAA]  }
0x30: {  	s3 =	sld [smem:$0x3FAD]  }
0x31: {  	[smem:$0x3FB6] =	sst s10  }
0x32: {  	s10 =	sld [smem:$0x3FB4];
	_ =	sdelay $0x3  }
0x33: {  	p0 =	seq.s32 s10, $0x1;
	s10 =	sld [smem:$0x3FB6];
	_ =	sdelay $0x3  }
0x34: {  	[smem:$0x3FB6] =	sst s10  }
0x35: {  	s10 =	sld [smem:$0x3FB5];
	_ =	sdelay $0x3  }
0x36: {  	p1 =	seq.s32 s10, $0x1;
	s10 =	sld [smem:$0x3FB6];
	_ =	sdelay $0x3  }
0x37: {  	[smem:$0x3FB6] =	sst s10  }
0x38: {  	s10 =	sld [smem:$0x3FB7]  }
0x39: {  	_ = 	snop;
	(pc) =	sbr.ind lr, $3  }
0x3a: {  	_ = 	snop  }
0x3b: {  	_ = 	snop  }
0x3c: {  	p2 =	seq.s32 s10, $0x1;
	s10 =	sld [smem:$0x3FB6]  }
0x3d: {  	_ =	shalt  }
0x3e: {  	_ =	shalt  }
0x3f: {  	_ =	shalt  }
0x40: {  	_ =	shalt  }
0x41: {  	_ =	shalt  }
0x42: {  	_ =	shalt  }
0x43: {  	_ =	shalt  }
0x44: {  	_ =	shalt  }
0x45: {  	_ =	shalt  }
0x46: {  	_ =	shalt  }
0x47: {  	_ =	shalt  }
0x48: {  	_ =	shalt  }
0x49: {  	_ =	shalt  }
0x4a: {  	_ =	shalt  }
0x4b: {  	_ =	shalt  }
0x4c: {  	_ =	shalt  }
0x4d: {  	_ =	shalt  }
0x4e: {  	_ =	shalt  }
0x4f: {  	_ =	shalt  }
0x50: {  	_ =	shalt  }
0x51: {  	_ =	shalt  }
0x52: {  	_ =	shalt  }
0x53: {  	_ =	shalt  }
0x54: {  	_ =	shalt  }
0x55: {  	_ =	shalt  }
0x56: {  	_ =	shalt  }
0x57: {  	_ =	shalt  }
0x58: {  	_ =	shalt  }
0x59: {  	_ =	shalt  }
0x5a: {  	_ =	shalt  }
0x5b: {  	_ =	shalt  }
0x5c: {  	_ =	shalt  }
0x5d: {  	_ =	shalt  }
0x5e: {  	_ =	shalt  }
0x5f: {  	_ =	shalt  }
0x60: {  	_ =	shalt  }
0x61: {  	_ =	shalt  }
0x62: {  	_ =	shalt  }
0x63: {  	_ =	shalt  }
0x64: {  	_ =	shalt  }
0x65: {  	_ =	shalt  }
0x66: {  	_ =	shalt  }
0x67: {  	_ =	shalt  }
0x68: {  	_ =	shalt  }
0x69: {  	_ =	shalt  }
0x6a: {  	_ =	shalt  }
0x6b: {  	_ =	shalt  }
0x6c: {  	_ =	shalt  }
0x6d: {  	_ =	shalt  }
0x6e: {  	_ =	shalt  }
0x6f: {  	_ =	shalt  }
0x70: {  	_ =	shalt  }
0x71: {  	_ =	shalt  }
0x72: {  	_ =	shalt  }
0x73: {  	_ =	shalt  }
0x74: {  	_ =	shalt  }
0x75: {  	_ =	shalt  }
0x76: {  	_ =	shalt  }
0x77: {  	_ =	shalt  }
0x78: {  	_ =	shalt  }
0x79: {  	_ =	shalt  }
0x7a: {  	_ =	shalt  }
0x7b: {  	_ =	shalt  }
0x7c: {  	_ =	shalt  }
0x7d: {  	_ =	shalt  }
0x7e: {  	_ =	shalt  }
0x7f: {  	_ =	shalt  }
0x80: {  	_ =	shalt  }
0x81: {  	_ =	shalt  }
0x82: {  	_ =	shalt  }
0x83: {  	_ =	shalt  }
0x84: {  	_ =	shalt  }
0x85: {  	_ =	shalt  }
0x86: {  	_ =	shalt  }
0x87: {  	_ =	shalt  }
.Lfunc_end0:
.L_simem_size_0:
called_computation.1_lowered:
.L_overlay_start_0:
0x88: {  	s2 =	sld [smem:$0x3FD9]  }
0x89: {  	s3 =	sld [smem:$0x3FFE];
	_ =	sdelay $0x1  }
0x8a: {  	s1 =	srdreg.scid  }
0x8b: {  	s0 =	sand.u32 $0x1, s1  }
0x8c: {  	s14 =	sshll.u32 s0, $0xA;
	s2 =	sadd.s32 s3, s2  }
0x8d: {  	s2 =	sadd.s32 s2, s14  }
0x8e: {  	[smem:$0x3FC2] =	sst s2  }
0x8f: {  	_ = 	snop  }
0x90: {  	s2 =	sld [smem:$0x3FD0];
	_ =	sdelay $0x2  }
0x91: {  	s15 =	simm.s32 $0xA;
	s4 =	simm.s32 $0x10  }
0x92: {  	[smem:s4], [sflag:s15] =	dma.local [hbm:s2], $0x1  }
0x93: {  	_ =	swait.eq [sflag:s15], $0x1  }
0x94: {  	[sflag:s15] =	ssyncset.done $0x0  }
0x95: {  	[sflag:s15] =	ssyncadd.s32 $0xFFFFFFFF  }
0x96: {  	s16 =	sld [smem:$0x10];
	(tm) =	ssettm $0x1  }
0x97: {  	s17 =	sld [smem:$0x3FFB];
	_ =	sdelay $0x3  }
0x98: {  	_ =	strace s17  }
0x99: {  	s3 =	sld [smem:$0x3FFC];
	_ =	sdelay $0x3  }
0x9a: {  	_ =	strace s3  }
0x9b: {  	s3 =	sld [smem:$0x3FFD];
	_ =	sdelay $0x3  }
0x9c: {  	_ =	strace s3  }
0x9d: {  	_ =	strace $0x8FFFFFFF  }
0x9e: {  	s18 =	sld [smem:$0x3FDB];
	_ =	sdelay $0x1  }
0x9f: {  	s19 =	simm.s32 $_scs_section_size  }
0xa0: {  	s5 =	simm.s32 $_size__tile_overlayer_lowered;
	s6 =	simm.s32 $_tile_overlayer_lowered  }
0xa1: {  	s22 =	simm.s32 $0x1BFF;
	s21 =	sshll.u32 s6, $0x1;
	s3 =	sadd.s32 s19, s18  }
0xa2: {  	s7 =	simm.s32 $0x0;
	s20 =	sshll.u32 s5, $0x1;
	s5 =	sadd.s32 s21, s3  }
0xa3: {  	[timem:s7], [sflag:s22] =	dma.local [hbm:s5], s20  }
0xa4: {  	_ =	swait.ge [sflag:s22], s20  }
0xa5: {  	s4 =	ssub.s32 $0x0, s20;
	[sflag:s22] =	ssyncset.done $0x0  }
0xa6: {  	[sflag:s22] =	ssyncadd.s32 s4;
	_ =	sdelay $0x1  }
0xa7: {  	s23 =	simm.s32 $0x1B8B  }
0xa8: {  	_ =	swait.ge [sflag:s23], $0x1  }
0xa9: {  	[sflag:s23] =	ssyncset.done $0x0  }
0xaa: {  	s25 =	simm.s32 $0x1B8E;
	s24 =	sld [smem:$0x3FFE];
	[sflag:s23] =	ssyncadd.s32 $0xFFFFFFFF  }
0xab: {  	s26 =	simm.s32 $execute0_lowered;
	[smem:$0x3FD2] =	sst s25  }
0xac: {  	s5 =	sshll.u32 s26, $0x1;
	_ =	strace $0x80000049;
	[dreg:$0x1] =	wrdreg $0xFFFFFFFF  }
0xad: {  	s28 =	simm.s32 $_size_execute0_lowered;
	s3 =	sadd.s32 s3, s5;
	[dreg:$0x0] =	wrdreg $0x0  }
0xae: {  	s5 =	sshll.u32 s28, $0x1;
	[dreg:$0x2] =	wrdreg s3  }
0xaf: {  	[dreg:$0x3] =	wrdreg s5  }
0xb0: {  	[dreg:$0x4] =	wrdreg $0xC0  }
0xb1: {  	_ =	task [dreg:s7], $0x5FFFF  }
0xb2: {  	[dreg:$0x1] =	wrdreg $0xFFFFFFFF  }
0xb3: {  	[dreg:$0x0] =	wrdreg $0x60  }
0xb4: {  	[dreg:$0x2] =	wrdreg s24  }
0xb5: {  	[dreg:$0x3] =	wrdreg s16  }
0xb6: {  	[dreg:$0x4] =	wrdreg $0x9  }
0xb7: {  	_ =	task.clear_ibuf [dreg:s7], $0x5FFFF;
	_ =	strace $0x90000049  }
0xb8: {  	s29 =	simm.s32 $0x9;
	_ =	strace $0x8000004B  }
0xb9: {  	_ =	swait.ge [sflag:s29], $0x1  }
0xba: {  	[sflag:s29] =	ssyncadd.s32 $0xFFFFFFFF  }
0xbb: {  	_ =	strace $0x9000004B  }
0xbc: {  	_ =	sfence  }
0xbd: {  	s30 =	sld [smem:$0x0];
	_ =	sdelay $0x2  }
0xbe: {  	s31 =	sshll.u32 s1, $0xD;
	s1 =	sshrl.u32 s1, $0x2  }
0xbf: {  	s3 =	sand.u32 $0x4000, s31;
	s1 =	sadd.s32 s1, s30  }
0xc0: {  	s0 =	sor.u32 s3, s0;
	s1 =	sshll.u32 s1, $0x11  }
0xc1: {  	s0 =	sor.u32 s1, s0  }
0xc2: {  	s0 =	sadd.s32 $0x8F2B, s0  }
0xc3: {  	[sflag:s0] =	ssyncadd.remote.s32 $0x1  }
0xc4: {  	_ =	sfence.sel $0xFFFF  }
0xc5: {  	[dreg:$0x0] =	wrdreg $0xFFFFFFFF;
	(pc) =	sbr.abs _section_cstart, $3  }
0xc6: {  	[dreg:$0x1] =	wrdreg $0xFFFFFFFF  }
0xc7: {  	_ =	task.clear_ibuf [dreg:s7], $0x2FFFF;
	_ =	strace $0x9FFFFFFF  }
0xc8: {  	(tm) =	ssettm $0x7FFFFFFF  }
0xc9: {  	_ =	shalt  }
tec
execute0_lowered:
.L_overlay_start_1:
0x0: {  	(tag) =	ssettag $0x1  }
0x1: {  	s0 =	rddreg [dreg:$0x0]  }
0x2: {  	s10 =	rddreg [dreg:$0x1]  }
0x3: {  	s2 =	srdreg.scid;
	s1 =	stileid.u32  }
0x4: {  	s15 =	simm.s32 $0x100;
	s18 =	simm.s32 $0x1180;
	s19 =	simm.s32 $0x1980  }
0x5: {  	s20 =	simm.s32 $0x2180;
	s21 =	simm.s32 $0x2980;
	s22 =	simm.s32 $0x3180  }
0x6: {  	s23 =	simm.s32 $0x3980;
	s24 =	simm.s32 $0x2;
	s25 =	simm.s32 $0x4180  }
0x7: {  	s26 =	simm.s32 $0x4;
	s28 =	simm.s32 $0x0;
	s11 =	sand.u32 $0x1, s2  }
0x8: {  	s2 =	simm.s32 $0x0;
	s3 =	sshll.u32 s1, $0x8;
	s8 =	sadd.s32 $0xD4E00, s0  }
0x9: {  	s9 =	sadd.s32 $0xD4F00, s0;
	s31 =	sshll.u32 s1, $0xF;
	s4 =	sshll.u32 s11, $0x7  }
0xa: {  	[smem:$0x7FF] =	sst s2;
	s5 =	ssub.s32 $0x2, s11;
	s14 =	sshll.u32 s11, $0xE  }
0xb: {  	s12 =	sor.u32 s4, s3;
	_ =	strace $0x8000004A;
	s7 =	sshrl.u32 s5, $0x1  }
0xc: {  	s4 =	sadd.s32 $0xD4C00, s0;
	s3 =	sshrl.u32 s12, $0x3;
	s13 =	ssub.s32 s5, s7  }
0xd: {  	s7 =	sadd.s32 $0xD4D00, s0;
	s30 =	sshll.u32 s12, $0x7;
	s12 =	sadd.s32 s31, s10  }
0xe: {  	v2 =	vlaneseq.u32;
	s6 =	sadd.s32 s3, s0;
	s3 =	sadd.s32 $0x13000, s0;
	s0 =	sadd.s32 s10, s30  }
0xf: {  	vm0 =	vmmov $0xffff;
	v1 =	vshrl.u32 v2, $0x3;
	s10 =	smax.u32 s13, $0x1;
	s12 =	sadd.s32 s14, s12;
	s13 =	simm.s32 $0x5  }
0x10: {  	v0 =	vand.u32 $0x7, v2;
	v2 =	vor.u32 $0x8, v2;
	v1 =	vmul.u32 $0x8, v1;
	s5 =	sadd.s32 $0x12C00, s6;
	s6 =	sadd.s32 $0x12E00, s6;
	s11 =	sadd.s32 $0x3800, s0  }
.LBB2_1:
0x11: {  	[tilespmem:s2], [sflag:$0x5] =	stream.linear.gather [hbm4b:s5+s2], $0x80, $0x38;
	[tilespmem:$0x8180] =	vst v63  }
0x12: {  	_ =	swait.ge [sflag:s13], $0x80  }
0x13: {  	[sflag:s13] =	ssyncset.done $0x0  }
0x14: {  	s0 =	simm.s32 $0x80;
	[sflag:s13] =	ssyncadd.s32 $0xFFFFFF80  }
0x15: {  	[tilespmem:s0], [sflag:$0x5] =	stream.linear.gather [hbm4b:s6+s2], $0x80, $0x38;
	[tilespmem:$0x8180] =	vst v63  }
0x16: {  	_ =	swait.ge [sflag:s13], $0x80  }
0x17: {  	[sflag:s13] =	ssyncset.done $0x0  }
0x18: {  	[sflag:s13] =	ssyncadd.s32 $0xFFFFFF80  }
0x19: {  	[tilespmem:s15], [sflag:$0x5] =	stream.linear.gather [hbm4b:s3+s2], $0x80, $0x38;
	[tilespmem:$0x8180] =	vst v63  }
0x1a: {  	_ =	swait.ge [sflag:s13], $0x80  }
0x1b: {  	[sflag:s13] =	ssyncset.done $0x0  }
0x1c: {  	[sflag:s13] =	ssyncadd.s32 $0xFFFFFF80  }
0x1d: {  	v3 =	vld [tilespmem:$0x0];
	_ =	sdelay $0x6  }
0x1e: {  	v4 =	vld [tilespmem:$0x80]  }
0x1f: {  	v3 =	vld.idx.msk [tilespmem:v3+s15+$0x0], $0xffff;
	_ =	sdelay $0x4  }
0x20: {  	v3 =	vadd.s32 v3, v4  }
0x21: {  	v4 =	vshll.u32 v3, $0x3  }
0x22: {  	v3 =	vand.u32 $0x7, v3;
	v4 =	vand.u32 $0xFFFFFFC0, v4  }
0x23: {  	v3 =	vor.u32 v3, v4  }
0x24: {  	v4 =	vperm.xlane v3, v0;
	_ =	sdelay $0x1  }
0x25: {  	v4 =	vadd.s32 v1, v4;
	_ =	sdelay $0x3  }
0x26: {  	s16 =	simm.s32 $0x180  }
0x27: {  	[tilespmem:s16], [sflag:$0x1] =	stream.indirect_vreg.gather [hbm4b:s4+s2], $0x80, v4, vm0, $0xb8;
	[tilespmem:$0x8180] =	vst v63  }
0x28: {  	s17 =	simm.s32 $0x980;
	v3 =	vperm.xlane v3, v2  }
0x29: {  	[tilespmem:s17], [sflag:$0x1] =	stream.indirect_vreg.gather [hbm4b:s7+s2], $0x80, v4, vm0, $0xb8;
	[tilespmem:$0x8180] =	vst v63  }
0x2a: {  	v3 =	vadd.s32 v1, v3  }
0x2b: {  	[tilespmem:s18], [sflag:$0x1] =	stream.indirect_vreg.gather [hbm4b:s8+s2], $0x80, v4, vm0, $0xb8;
	[tilespmem:$0x8180] =	vst v63  }
0x2c: {  	_ = 	snop  }
0x2d: {  	[tilespmem:s19], [sflag:$0x1] =	stream.indirect_vreg.gather [hbm4b:s9+s2], $0x80, v4, vm0, $0xb8;
	[tilespmem:$0x8180] =	vst v63  }
0x2e: {  	_ = 	snop  }
0x2f: {  	[tilespmem:s20], [sflag:$0x1] =	stream.indirect_vreg.gather [hbm4b:s4+s2], $0x80, v3, vm0, $0xb8;
	[tilespmem:$0x8180] =	vst v63  }
0x30: {  	_ = 	snop  }
0x31: {  	[tilespmem:s21], [sflag:$0x1] =	stream.indirect_vreg.gather [hbm4b:s7+s2], $0x80, v3, vm0, $0xb8;
	[tilespmem:$0x8180] =	vst v63  }
0x32: {  	s29 =	simm.s32 $0x10  }
0x33: {  	[tilespmem:s22], [sflag:$0x1] =	stream.indirect_vreg.gather [hbm4b:s8+s2], $0x80, v3, vm0, $0xb8;
	[tilespmem:$0x8180] =	vst v63  }
0x34: {  	s30 =	simm.s32 $0x90;
	s31 =	smov.u32 s12;
	s0 =	simm.s32 $0x0  }
0x35: {  	[tilespmem:s23], [sflag:$0x1] =	stream.indirect_vreg.gather [hbm4b:s9+s2], $0x80, v3, vm0, $0xb8;
	[tilespmem:$0x8180] =	vst v63  }
.LBB2_2:
0x36: {  	v3 =	vld [tilespmem:s29+$0x0];
	_ =	sdelay $0x6  }
0x37: {  	v4 =	vld [tilespmem:s30+$0x0]  }
0x38: {  	v3 =	vld.idx.msk [tilespmem:v3+s15+$0x0], $0xffff;
	_ =	sdelay $0x4  }
0x39: {  	v3 =	vadd.s32 v3, v4  }
0x3a: {  	v4 =	vshll.u32 v3, $0x3  }
0x3b: {  	v3 =	vand.u32 $0x7, v3;
	v4 =	vand.u32 $0xFFFFFFC0, v4  }
0x3c: {  	v3 =	vor.u32 v3, v4  }
0x3d: {  	v4 =	vperm.xlane v3, v0;
	_ =	sdelay $0x1  }
0x3e: {  	v4 =	vadd.s32 v1, v4  }
0x3f: {  	s1 =	sand.u32 $0x1, s0  }
0x40: {  	s14 =	sxor.u32 $0x1, s1  }
0x41: {  	s16 =	sshll.u32 s14, $0xE  }
0x42: {  	s14 =	sadd.s32 $0x1, s14;
	s17 =	sor.u32 $0x180, s16  }
0x43: {  	[tilespmem:s17], [sflag:s14] =	stream.indirect_vreg.gather [hbm4b:s4+s2], $0x80, v4, vm0, $0xb8;
	[tilespmem:$0x8180] =	vst v63  }
0x44: {  	v3 =	vperm.xlane v3, v2;
	s17 =	sor.u32 $0x980, s16  }
0x45: {  	[tilespmem:s17], [sflag:s14] =	stream.indirect_vreg.gather [hbm4b:s7+s2], $0x80, v4, vm0, $0xb8;
	[tilespmem:$0x8180] =	vst v63  }
0x46: {  	v3 =	vadd.s32 v1, v3;
	s17 =	sor.u32 $0x1180, s16  }
0x47: {  	[tilespmem:s17], [sflag:s14] =	stream.indirect_vreg.gather [hbm4b:s8+s2], $0x80, v4, vm0, $0xb8;
	[tilespmem:$0x8180] =	vst v63  }
0x48: {  	s17 =	sor.u32 $0x1980, s16  }
0x49: {  	[tilespmem:s17], [sflag:s14] =	stream.indirect_vreg.gather [hbm4b:s9+s2], $0x80, v4, vm0, $0xb8;
	[tilespmem:$0x8180] =	vst v63  }
0x4a: {  	s17 =	sor.u32 $0x2180, s16  }
0x4b: {  	[tilespmem:s17], [sflag:s14] =	stream.indirect_vreg.gather [hbm4b:s4+s2], $0x80, v3, vm0, $0xb8;
	[tilespmem:$0x8180] =	vst v63  }
0x4c: {  	s17 =	sor.u32 $0x2980, s16  }
0x4d: {  	[tilespmem:s17], [sflag:s14] =	stream.indirect_vreg.gather [hbm4b:s7+s2], $0x80, v3, vm0, $0xb8;
	[tilespmem:$0x8180] =	vst v63  }
0x4e: {  	s17 =	sor.u32 $0x3180, s16  }
0x4f: {  	[tilespmem:s17], [sflag:s14] =	stream.indirect_vreg.gather [hbm4b:s8+s2], $0x80, v3, vm0, $0xb8;
	[tilespmem:$0x8180] =	vst v63  }
0x50: {  	s16 =	sor.u32 $0x3980, s16  }
0x51: {  	[tilespmem:s16], [sflag:s14] =	stream.indirect_vreg.gather [hbm4b:s9+s2], $0x80, v3, vm0, $0xb8;
	[tilespmem:$0x8180] =	vst v63  }
0x52: {  	s16 =	sadd.s32 $0x1, s1  }
0x53: {  	s17 =	sshll.u32 s1, $0xE;
	_ =	swait.ge [sflag:s16], $0x4000  }
0x54: {  	p0 =	sne.s32 s0, $0x6;
	s17 =	sor.u32 $0x180, s17;
	[sflag:s16] =	ssyncset.done $0x0  }
.Ltmp0:
0x55: {  	s1 =	sadd.s32 $0x3, s1;
	[sflag:s16] =	ssyncadd.s32 $0xFFFFC000;
	(pc) =	sbr.rel @p0 .LBB2_2-.Ltmp0, $4  }
0x56: {  	[hbm4b:s31+s2] =	stream.linear.scatter [tilespmem:s17], [sflag:s1], $0x4000, $0x38;
	[tilespmem:$0x8180] =	vst v63  }
0x57: {  	_ =	swait.ge [sflag:s1], $0x4000  }
0x58: {  	s29 =	sadd.s32 $0x10, s29;
	s30 =	sadd.s32 $0x10, s30;
	[sflag:s1] =	ssyncset.done $0x0  }
0x59: {  	s0 =	sadd.s32 $0x1, s0;
	s31 =	sadd.s32 $0x800, s31;
	[sflag:s1] =	ssyncadd.s32 $0xFFFFC000  }
0x5a: {  	_ =	swait.ge [sflag:s24], $0x4000;
	s28 =	sadd.s32 $0x1, s28  }
0x5b: {  	[sflag:s24] =	ssyncset.done $0x0;
	p0 =	sne.s32 s28, s10  }
.Ltmp1:
0x5c: {  	[sflag:s24] =	ssyncadd.s32 $0xFFFFC000;
	(pc) =	sbr.rel @p0 .LBB2_1-.Ltmp1, $4  }
0x5d: {  	[hbm4b:s11+s2] =	stream.linear.scatter [tilespmem:s25], [sflag:$0x4], $0x4000, $0x38;
	[tilespmem:$0x8180] =	vst v63  }
0x5e: {  	_ =	swait.ge [sflag:s26], $0x4000  }
0x5f: {  	[sflag:s26] =	ssyncset.done $0x0  }
0x60: {  	[sflag:s26] =	ssyncadd.s32 $0xFFFFC000  }
0x61: {  	_ =	sfence.sel $0x180000  }
0x62: {  	[bflag:$0x0] =	sbarrier.arrive $0xFFFF  }
0x63: {  	_ =	strace $0x9000004A  }
0x64: {  	s0 =	stileid.u32;
	[bflag:$0x2] =	sbarrier.arrive $0xFFFF  }
0x65: {  	p0 =	sne.s32 s0, $0x0;
	s0 =	rddreg [dreg:$0x2]  }
0x66: {  	s0 =	sadd.s32 @!p0 $0x100000, s0  }
0x67: {  	[sflag:s0] =	ssyncadd.tile.s32 @!p0 $0x1;
	_ =	shalt  }
.Lfunc_end2:
_tile_overlayer_lowered:
.L_overlay_start_2:
0x68: {  	(tag) =	ssettag $0x2  }
0x69: {  	s0 =	rddreg [dreg:$0x0];
	s2 =	stileid.u32  }
0x6a: {  	s1 =	rddreg [dreg:$0x1];
	p0 =	sne.s32 s2, $0x0  }
0x6b: {  	s3 =	rddreg [dreg:$0x2];
	[bflag:$0x3] =	sbarrier.arrive $0xFFFF;
	s2 =	simm.s32 @!p0 $0x1C05  }
0x6c: {  	[timem:s3], [sflag:s2] =	dma.local @!p0 [hbm:s0], s1  }
0x6d: {  	s0 =	simm.s32 @!p0 $0x5  }
0x6e: {  	_ =	swait.ge @!p0 [sflag:s0], s1  }
0x6f: {  	s1 =	ssub.s32 @!p0 $0x0, s1;
	[sflag:s0] =	ssyncset.done @!p0 $0x0  }
0x70: {  	[sflag:s0] =	ssyncadd.s32 @!p0 s1  }
0x71: {  	[bflag:$0x3] =	sbarrier.arrive $0xFFFF  }
0x72: {  	_ =	shalt  }

</sc_bundles>
